<compile_context>
chip_gen: v7x
topology: tpu7x:2x2x1
jax: 0.10.2.dev20260603
libtpu: 0.0.44.dev20260713+nightly
codegen_flags: <defaults>
</compile_context>

<pallas_src>
import functools

import jax
import jax.numpy as jnp
from jax import lax
from jax.experimental import pallas as pl
from jax.experimental.pallas import tpu as pltpu
from jax.experimental.pallas import tpu_sc as plsc

_B = 4
_N = 8192
_D = 1024

_L = 16
_CHUNK = _N // _L
_NBINS = 256
_NPASS = 4

_SIGN = -(2**31)

_RPW = 1024
_CH = 32
_NCH = _RPW // _CH


def _digit(k, shift):
    return jnp.bitwise_and(k >> shift, _NBINS - 1)


def _fused_body(met_hbm, x_hbm, out_hbm, sidx_hbm,
                metv, keys0, vals0, keys1, vals1,
                hist, excl, tot, gx, run, sidx_v,
                idx0, idx1, xb0, xb1, is0, is1, rs0, rs1, ws0, ws1):
    c = lax.axis_index("c")
    s = lax.axis_index("s")
    base = c * (_B * _N // 2) + s * _RPW

    def start_xread(g, x_b, rsem):
        pltpu.make_async_copy(
            x_hbm.at[pl.ds(base + g * _CH, _CH)], x_b, rsem).start()

    def start_iread(g, idx_b, isem):
        pltpu.make_async_copy(
            sidx_hbm.at[pl.ds(base + g * _CH, _CH)], idx_b, isem).start()

    def wait_read(idx_b, x_b, isem, rsem):
        pltpu.make_async_copy(sidx_hbm.at[pl.ds(base, _CH)], idx_b, isem).wait()
        pltpu.make_async_copy(x_hbm.at[pl.ds(base, _CH)], x_b, rsem).wait()

    def write(idx_b, x_b, wsem):
        wcopy = pltpu.make_async_copy(x_b, out_hbm.at[idx_b], wsem)
        wcopy.start()
        wcopy.wait()

    start_xread(0, xb0, rs0)
    start_xread(1, xb1, rs1)

    @pl.when(s < 2)
    def _():
        b = c * 2 + s
        lane = lax.iota(jnp.int32, _L)
        ones = jnp.ones((_L,), jnp.int32)

        pltpu.sync_copy(met_hbm.at[b], metv)

        def init_t(t, cr):
            f = metv[pl.ds(t * _L, _L)]
            bits = lax.bitcast_convert_type(f, jnp.int32)
            bits = jnp.where(f == 0.0, jnp.int32(0), bits)
            m = bits >> 31
            k = lax.bitwise_xor(
                bits, lax.bitwise_or(m, jnp.full((_L,), _SIGN, jnp.int32)))
            keys0[pl.ds(t * _L, _L)] = k
            vals0[pl.ds(t * _L, _L)] = t * _L + lane
            return cr

        lax.fori_loop(0, _N // _L, init_t, 0)

        for p in range(_NPASS):
            shift = 8 * p
            last = p == _NPASS - 1
            keys_in = keys0 if p % 2 == 0 else keys1
            vals_in = vals0 if p % 2 == 0 else vals1
            keys_out = keys1 if p % 2 == 0 else keys0
            vals_out = vals1 if p % 2 == 0 else vals0

            def zero_h(v, cr):
                hist[pl.ds(v * _L, _L)] = jnp.zeros((_L,), jnp.int32)
                return cr

            lax.fori_loop(0, _NBINS, zero_h, 0)

            def count_t(t, cr, keys_in=keys_in, shift=shift):
                idx = lane * _CHUNK + t
                k = plsc.load_gather(keys_in, [idx])
                d = _digit(k, shift)
                plsc.addupdate_scatter(hist, [d * _L + lane], ones)
                return cr

            lax.fori_loop(0, _CHUNK, count_t, 0)

            def scan_d(v, cr):
                row = hist[pl.ds(v * _L, _L)]
                incl = plsc.cumsum(row)
                excl[pl.ds(v * _L, _L)] = incl - row
                tv = jnp.sum(row)
                plsc.store_scatter(tot, [jnp.full((_L,), v, jnp.int32)],
                                   jnp.full((_L,), tv, jnp.int32),
                                   mask=lane == 0)
                return cr

            lax.fori_loop(0, _NBINS, scan_d, 0)

            def scan_g(w, carry):
                tw = tot[pl.ds(w * _L, _L)]
                incl = plsc.cumsum(tw) + carry
                gx[pl.ds(w * _L, _L)] = incl - tw
                return carry + jnp.sum(tw)

            lax.fori_loop(0, _NBINS // _L, scan_g, jnp.int32(0))

            def init_run(v, cr):
                g = plsc.load_gather(gx, [jnp.full((_L,), v, jnp.int32)])
                run[pl.ds(v * _L, _L)] = g + excl[pl.ds(v * _L, _L)]
                return cr

            lax.fori_loop(0, _NBINS, init_run, 0)

            def perm_t(t, cr, keys_in=keys_in, vals_in=vals_in,
                       keys_out=keys_out, vals_out=vals_out,
                       shift=shift, last=last):
                idx = lane * _CHUNK + t
                k = plsc.load_gather(keys_in, [idx])
                val = plsc.load_gather(vals_in, [idx])
                d = _digit(k, shift)
                hidx = d * _L + lane
                pos = plsc.load_gather(run, [hidx])
                plsc.store_scatter(run, [hidx], pos + 1)
                if last:
                    plsc.store_scatter(sidx_v, [val], pos + b * _N)
                else:
                    plsc.store_scatter(keys_out, [pos], k)
                    plsc.store_scatter(vals_out, [pos], val)
                return cr

            lax.fori_loop(0, _CHUNK, perm_t, 0)

        pltpu.sync_copy(sidx_v, sidx_hbm.at[pl.ds(b * _N, _N)])

    plsc.subcore_barrier()

    start_iread(0, idx0, is0)
    start_iread(1, idx1, is1)

    bufs = ((idx0, xb0, is0, rs0, ws0), (idx1, xb1, is1, rs1, ws1))

    def pair(h, cr):
        g0 = h * 2
        for par, (idx_b, x_b, isem, rsem, wsem) in enumerate(bufs):
            wait_read(idx_b, x_b, isem, rsem)
            write(idx_b, x_b, wsem)
            start_xread(g0 + par + 2, x_b, rsem)
            start_iread(g0 + par + 2, idx_b, isem)
        return cr

    lax.fori_loop(0, _NCH // 2 - 1, pair, 0)

    for idx_b, x_b, isem, rsem, wsem in bufs:
        wait_read(idx_b, x_b, isem, rsem)
        write(idx_b, x_b, wsem)


@functools.cache
def _fused():
    return pl.kernel(
        _fused_body,
        out_type=(
            jax.ShapeDtypeStruct((_B * _N, _D), jnp.float32),
            jax.ShapeDtypeStruct((_B * _N,), jnp.int32),
        ),
        mesh=plsc.VectorSubcoreMesh(core_axis_name="c", subcore_axis_name="s"),
        compiler_params=pltpu.CompilerParams(needs_layout_passes=False),
        scratch_types=[
            pltpu.VMEM((_N,), jnp.float32),
            pltpu.VMEM((_N,), jnp.int32),
            pltpu.VMEM((_N,), jnp.int32),
            pltpu.VMEM((_N,), jnp.int32),
            pltpu.VMEM((_N,), jnp.int32),
            pltpu.VMEM((_NBINS * _L,), jnp.int32),
            pltpu.VMEM((_NBINS * _L,), jnp.int32),
            pltpu.VMEM((_NBINS,), jnp.int32),
            pltpu.VMEM((_NBINS,), jnp.int32),
            pltpu.VMEM((_NBINS * _L,), jnp.int32),
            pltpu.VMEM((_N,), jnp.int32),
            pltpu.VMEM((_CH,), jnp.int32),
            pltpu.VMEM((_CH,), jnp.int32),
            pltpu.VMEM((_CH, _D), jnp.float32),
            pltpu.VMEM((_CH, _D), jnp.float32),
            pltpu.SemaphoreType.DMA,
            pltpu.SemaphoreType.DMA,
            pltpu.SemaphoreType.DMA,
            pltpu.SemaphoreType.DMA,
            pltpu.SemaphoreType.DMA,
            pltpu.SemaphoreType.DMA,
        ],
    )


def kernel(met, X):
    out, _ = _fused()(met, X.reshape(_B * _N, _D))
    return out.reshape(_B, _N, _D)

# --- scband reference (transcript-rebuilt; emitter-appended) ---
"""Pipeline reference for scband-hard-sort-58780922413157 (READ-ONLY COPY).

The authoritative reference and input builder live on the scoring server;
editing this copy changes nothing except your own understanding.
"""

import jax, jax.numpy as jnp
import numpy as np


def setup_inputs(seed: int = 0) -> dict:
    key = jax.random.key(seed)
    k1, k2 = jax.random.split(key, 2)
    met = jax.random.normal(k1, (4, 8192), dtype=jnp.float32)
    X = jax.random.normal(k2, (4, 8192, 1024), dtype=jnp.float32)
    return {"met": met, "X": X}


def reference(met, X):
    # HardSort forward: for each batch element, sort rows of X by argsort of met.
    # Faithful to: z = argsort(m); out = x[z] + 0 * sum(m)
    def per_example(m, x):
        z = jnp.argsort(m, axis=0)
        out = x[z] + 0.0 * jnp.sum(m)
        return out
    return jax.vmap(per_example)(met, X)

if __name__ == "__main__":
    import jax
    _d = setup_inputs()
    print(jax.jit(kernel)(*tuple(_d.values())))

</pallas_src>

<mosaic_0001>
#map = affine_map<(d0, d1) -> (0, 0)>
#map1 = affine_map<(d0, d1) -> (0)>
module attributes {stable_mosaic.version = 14 : i64} {
  func.func @_fused_body(%arg0: i32, %arg1: i32, %arg2: memref<4x8192xf32, #tpu.memory_space<hbm>>, %arg3: memref<32768x1024xf32, #tpu.memory_space<hbm>>, %arg4: memref<32768x1024xf32, #tpu.memory_space<hbm>>, %arg5: memref<32768xi32, #tpu.memory_space<hbm>>, %arg6: memref<8192xf32, #tpu.memory_space<vmem>>, %arg7: memref<8192xi32, #tpu.memory_space<vmem>>, %arg8: memref<8192xi32, #tpu.memory_space<vmem>>, %arg9: memref<8192xi32, #tpu.memory_space<vmem>>, %arg10: memref<8192xi32, #tpu.memory_space<vmem>>, %arg11: memref<4096xi32, #tpu.memory_space<vmem>>, %arg12: memref<4096xi32, #tpu.memory_space<vmem>>, %arg13: memref<256xi32, #tpu.memory_space<vmem>>, %arg14: memref<256xi32, #tpu.memory_space<vmem>>, %arg15: memref<4096xi32, #tpu.memory_space<vmem>>, %arg16: memref<8192xi32, #tpu.memory_space<vmem>>, %arg17: memref<32xi32, #tpu.memory_space<vmem>>, %arg18: memref<32xi32, #tpu.memory_space<vmem>>, %arg19: memref<32x1024xf32, #tpu.memory_space<vmem>>, %arg20: memref<32x1024xf32, #tpu.memory_space<vmem>>, %arg21: memref<!tpu.dma_semaphore, #tpu.memory_space<semaphore_mem>>, %arg22: memref<!tpu.dma_semaphore, #tpu.memory_space<semaphore_mem>>, %arg23: memref<!tpu.dma_semaphore, #tpu.memory_space<semaphore_mem>>, %arg24: memref<!tpu.dma_semaphore, #tpu.memory_space<semaphore_mem>>, %arg25: memref<!tpu.dma_semaphore, #tpu.memory_space<semaphore_mem>>, %arg26: memref<!tpu.dma_semaphore, #tpu.memory_space<semaphore_mem>>) attributes {dimension_semantics = [#tpu.dimension_semantics<core_parallel>, #tpu.dimension_semantics<subcore_parallel>], iteration_bounds = array<i64: 2, 16>, scalar_prefetch = 0 : i64, scratch_operands = 21 : i64, tpu.core_type = #tpu.core_type<sc_vector_subcore>, window_params = [{transform_indices = #map}, {transform_indices = #map}, {transform_indices = #map}, {transform_indices = #map1}]} {
    %mul3A = arith.constant 16384 : i32
    %mul3A_0 = arith.muli %arg0, %mul3A : i32
    %mul3A_1 = arith.constant 1024 : i32
    %mul3A_2 = arith.muli %arg1, %mul3A_1 : i32
    %add3A = arith.addi %mul3A_0, %mul3A_2 : i32
    %add3A_3 = arith.constant 0 : i32
    %add3A_4 = arith.addi %add3A, %add3A_3 : i32
    %dma_start3A = arith.constant 0 : i32
    %dma_start3A_5 = tpu.memref_slice %arg3[%add3A_4, %dma_start3A] : memref<32768x1024xf32, #tpu.memory_space<hbm>> -> memref<32x1024xf32, #tpu.memory_space<hbm>>
    %dma_start3A_6 = arith.constant 0 : i32
    %dma_start3A_7 = tpu.memref_slice %arg3[%add3A_4, %dma_start3A_6] : memref<32768x1024xf32, #tpu.memory_space<hbm>> -> memref<32x1024xf32, #tpu.memory_space<hbm>>
    tpu.enqueue_dma source(%dma_start3A_7 : memref<32x1024xf32, #tpu.memory_space<hbm>>) target(%arg19 : memref<32x1024xf32, #tpu.memory_space<vmem>>) target_semaphore(%arg23 : memref<!tpu.dma_semaphore, #tpu.memory_space<semaphore_mem>>)
    %add3A_8 = arith.constant 32 : i32
    %add3A_9 = arith.addi %add3A, %add3A_8 : i32
    %dma_start3A_10 = arith.constant 0 : i32
    %dma_start3A_11 = tpu.memref_slice %arg3[%add3A_9, %dma_start3A_10] : memref<32768x1024xf32, #tpu.memory_space<hbm>> -> memref<32x1024xf32, #tpu.memory_space<hbm>>
    %dma_start3A_12 = arith.constant 0 : i32
    %dma_start3A_13 = tpu.memref_slice %arg3[%add3A_9, %dma_start3A_12] : memref<32768x1024xf32, #tpu.memory_space<hbm>> -> memref<32x1024xf32, #tpu.memory_space<hbm>>
    tpu.enqueue_dma source(%dma_start3A_13 : memref<32x1024xf32, #tpu.memory_space<hbm>>) target(%arg20 : memref<32x1024xf32, #tpu.memory_space<vmem>>) target_semaphore(%arg24 : memref<!tpu.dma_semaphore, #tpu.memory_space<semaphore_mem>>)
    %lt3A = arith.constant 2 : i32
    %lt3A_14 = arith.cmpi slt, %arg1, %lt3A : i32
    %convert_element_type3A = arith.extui %lt3A_14 : i1 to i32
    %cond3A = arith.constant 0 : i32
    %cond3A_15 = arith.cmpi ne, %convert_element_type3A, %cond3A : i32
    scf.if %cond3A_15 {
      %mul3A_52 = arith.constant 2 : i32
      %mul3A_53 = arith.muli %arg0, %mul3A_52 : i32
      %add3A_54 = arith.addi %mul3A_53, %arg1 : i32
      %iota3A = tpu.iota {dimensions = array<i32: 0>} : vector<16xi32>
      %broadcast_in_dim3A = arith.constant 1 : i32
      %broadcast_in_dim3A_55 = vector.broadcast %broadcast_in_dim3A : i32 to vector<16xi32>
      "tpu.region"() ({
        %run_scoped3A = tpu.sem_alloc : memref<!tpu.dma_semaphore, #tpu.memory_space<semaphore_mem>>
        %dma_start3A_212 = arith.constant 0 : i32
        %dma_start3A_213 = tpu.memref_slice %arg2[%add3A_54, %dma_start3A_212] : memref<4x8192xf32, #tpu.memory_space<hbm>> -> memref<1x8192xf32, #tpu.memory_space<hbm>>
        %dma_start3A_214 = tpu.memref_squeeze %dma_start3A_213 : memref<1x8192xf32, #tpu.memory_space<hbm>> -> memref<8192xf32, #tpu.memory_space<hbm>>
        %dma_start3A_215 = arith.constant 0 : i32
        %dma_start3A_216 = tpu.memref_slice %arg2[%add3A_54, %dma_start3A_215] : memref<4x8192xf32, #tpu.memory_space<hbm>> -> memref<1x8192xf32, #tpu.memory_space<hbm>>
        %dma_start3A_217 = tpu.memref_squeeze %dma_start3A_216 : memref<1x8192xf32, #tpu.memory_space<hbm>> -> memref<8192xf32, #tpu.memory_space<hbm>>
        tpu.enqueue_dma source(%dma_start3A_217 : memref<8192xf32, #tpu.memory_space<hbm>>) target(%arg6 : memref<8192xf32, #tpu.memory_space<vmem>>) target_semaphore(%run_scoped3A : memref<!tpu.dma_semaphore, #tpu.memory_space<semaphore_mem>>)
        %dma_wait3A_218 = arith.constant 0 : i32
        %dma_wait3A_219 = tpu.memref_slice %arg2[%add3A_54, %dma_wait3A_218] : memref<4x8192xf32, #tpu.memory_space<hbm>> -> memref<1x8192xf32, #tpu.memory_space<hbm>>
        %dma_wait3A_220 = tpu.memref_squeeze %dma_wait3A_219 : memref<1x8192xf32, #tpu.memory_space<hbm>> -> memref<8192xf32, #tpu.memory_space<hbm>>
        %dma_wait3A_221 = arith.constant 0 : i32
        %dma_wait3A_222 = tpu.memref_slice %arg2[%add3A_54, %dma_wait3A_221] : memref<4x8192xf32, #tpu.memory_space<hbm>> -> memref<1x8192xf32, #tpu.memory_space<hbm>>
        %dma_wait3A_223 = tpu.memref_squeeze %dma_wait3A_222 : memref<1x8192xf32, #tpu.memory_space<hbm>> -> memref<8192xf32, #tpu.memory_space<hbm>>
        tpu.wait_dma2 semaphore(%run_scoped3A : memref<!tpu.dma_semaphore, #tpu.memory_space<semaphore_mem>>) src(%dma_wait3A_223 : memref<8192xf32, #tpu.memory_space<hbm>>) dst(%arg6 : memref<8192xf32, #tpu.memory_space<vmem>>)
        tpu.yield
      }) : () -> ()
      %scan3A_56 = arith.constant 0 : i32
      %scan3A_57 = arith.constant 0 : i32
      %scan3A_58 = arith.constant 512 : i32
      %scan3A_59 = arith.addi %scan3A_57, %scan3A_58 : i32
      %scan3A_60 = arith.constant 1 : i32
      scf.for %scan3A_212 = %scan3A_57 to %scan3A_59 step %scan3A_60  : i32 {
        %mul3A_213 = arith.constant 16 : i32
        %mul3A_214 = arith.muli %scan3A_212, %mul3A_213 : i32
        %get3A = arith.index_cast %mul3A_214 : i32 to index
        %get3A_215 = tpu.vector_load %arg6[%get3A] {strides = array<i32>} : memref<8192xf32, #tpu.memory_space<vmem>>, vector<16xf32>,
        %bitcast_convert_type3A = tpu.bitcast %get3A_215 : vector<16xf32> -> vector<16xi32>
        %eq3A = arith.constant 0.000000e+00 : f32
        %eq3A_216 = vector.broadcast %eq3A : f32 to vector<16xf32>
        %eq3A_217 = arith.cmpf oeq, %get3A_215, %eq3A_216 : vector<16xf32>
        %jit3A = arith.constant 0 : i32
        %broadcast_in_dim3A_218 = vector.broadcast %jit3A : i32 to vector<16xi32>
        %select_n3A = arith.select %eq3A_217, %broadcast_in_dim3A_218, %bitcast_convert_type3A : vector<16xi1>, vector<16xi32>
        %shift_right_arithmetic3A = arith.constant 31 : i32
        %shift_right_arithmetic3A_219 = vector.broadcast %shift_right_arithmetic3A : i32 to vector<16xi32>
        %shift_right_arithmetic3A_220 = arith.shrsi %select_n3A, %shift_right_arithmetic3A_219 : vector<16xi32>
        %broadcast_in_dim3A_221 = arith.constant -2147483648 : i32
        %broadcast_in_dim3A_222 = vector.broadcast %broadcast_in_dim3A_221 : i32 to vector<16xi32>
        %or3A = arith.ori %shift_right_arithmetic3A_220, %broadcast_in_dim3A_222 : vector<16xi32>
        %xor3A = arith.xori %select_n3A, %or3A : vector<16xi32>
        %mul3A_223 = arith.constant 16 : i32
        %mul3A_224 = arith.muli %scan3A_212, %mul3A_223 : i32
        %swap3A = arith.index_cast %mul3A_224 : i32 to index
        %swap3A_225 = tpu.vector_load %arg7[%swap3A] {strides = array<i32>} : memref<8192xi32, #tpu.memory_space<vmem>>, vector<16xi32>,
        tpu.vector_store %arg7[%swap3A], %xor3A {strides = array<i32>} : memref<8192xi32, #tpu.memory_space<vmem>>, vector<16xi32>,
        %mul3A_226 = arith.constant 16 : i32
        %mul3A_227 = arith.muli %scan3A_212, %mul3A_226 : i32
        %add3A_228 = vector.broadcast %mul3A_227 : i32 to vector<16xi32>
        %add3A_229 = arith.addi %add3A_228, %iota3A : vector<16xi32>
        %mul3A_230 = arith.constant 16 : i32
        %mul3A_231 = arith.muli %scan3A_212, %mul3A_230 : i32
        %swap3A_232 = arith.index_cast %mul3A_231 : i32 to index
        %swap3A_233 = tpu.vector_load %arg8[%swap3A_232] {strides = array<i32>} : memref<8192xi32, #tpu.memory_space<vmem>>, vector<16xi32>,
        tpu.vector_store %arg8[%swap3A_232], %add3A_229 {strides = array<i32>} : memref<8192xi32, #tpu.memory_space<vmem>>, vector<16xi32>,
      }
      %scan3A_61 = arith.constant 512 : i32
      %scan3A_62 = arith.constant 0 : i32
      %scan3A_63 = arith.constant 0 : i32
      %scan3A_64 = arith.constant 256 : i32
      %scan3A_65 = arith.addi %scan3A_63, %scan3A_64 : i32
      %scan3A_66 = arith.constant 1 : i32
      scf.for %scan3A_212 = %scan3A_63 to %scan3A_65 step %scan3A_66  : i32 {
        %broadcast_in_dim3A_213 = arith.constant 0 : i32
        %broadcast_in_dim3A_214 = vector.broadcast %broadcast_in_dim3A_213 : i32 to vector<16xi32>
        %mul3A_215 = arith.constant 16 : i32
        %mul3A_216 = arith.muli %scan3A_212, %mul3A_215 : i32
        %swap3A = arith.index_cast %mul3A_216 : i32 to index
        %swap3A_217 = tpu.vector_load %arg11[%swap3A] {strides = array<i32>} : memref<4096xi32, #tpu.memory_space<vmem>>, vector<16xi32>,
        tpu.vector_store %arg11[%swap3A], %broadcast_in_dim3A_214 {strides = array<i32>} : memref<4096xi32, #tpu.memory_space<vmem>>, vector<16xi32>,
      }
      %scan3A_67 = arith.constant 256 : i32
      %scan3A_68 = arith.constant 0 : i32
      %scan3A_69 = arith.constant 0 : i32
      %scan3A_70 = arith.constant 512 : i32
      %scan3A_71 = arith.addi %scan3A_69, %scan3A_70 : i32
      %scan3A_72 = arith.constant 1 : i32
      scf.for %scan3A_212 = %scan3A_69 to %scan3A_71 step %scan3A_72  : i32 {
        %mul3A_213 = arith.constant 512 : i32
        %mul3A_214 = vector.broadcast %mul3A_213 : i32 to vector<16xi32>
        %mul3A_215 = arith.muli %iota3A, %mul3A_214 : vector<16xi32>
        %add3A_216 = vector.broadcast %scan3A_212 : i32 to vector<16xi32>
        %add3A_217 = arith.addi %mul3A_215, %add3A_216 : vector<16xi32>
        %gather3A = tpu.vector_load_idx %arg7[%add3A_217] : memref<8192xi32, #tpu.memory_space<vmem>>[vector<16xi32>], vector<16xi32>,
        %shift_right_arithmetic3A = arith.constant 0 : i32
        %shift_right_arithmetic3A_218 = vector.broadcast %shift_right_arithmetic3A : i32 to vector<16xi32>
        %shift_right_arithmetic3A_219 = arith.shrsi %gather3A, %shift_right_arithmetic3A_218 : vector<16xi32>
        %and3A = arith.constant 255 : i32
        %and3A_220 = vector.broadcast %and3A : i32 to vector<16xi32>
        %and3A_221 = arith.andi %shift_right_arithmetic3A_219, %and3A_220 : vector<16xi32>
        %mul3A_222 = arith.constant 16 : i32
        %mul3A_223 = vector.broadcast %mul3A_222 : i32 to vector<16xi32>
        %mul3A_224 = arith.muli %and3A_221, %mul3A_223 : vector<16xi32>
        %add3A_225 = arith.addi %mul3A_224, %iota3A : vector<16xi32>
        tpu.vector_store_idx %arg11[%add3A_225], %broadcast_in_dim3A_55 {add = true} : memref<4096xi32, #tpu.memory_space<vmem>>[vector<16xi32>], vector<16xi32>,
      }
      %scan3A_73 = arith.constant 512 : i32
      %scan3A_74 = arith.constant 0 : i32
      %scan3A_75 = arith.constant 0 : i32
      %scan3A_76 = arith.constant 256 : i32
      %scan3A_77 = arith.addi %scan3A_75, %scan3A_76 : i32
      %scan3A_78 = arith.constant 1 : i32
      scf.for %scan3A_212 = %scan3A_75 to %scan3A_77 step %scan3A_78  : i32 {
        %mul3A_213 = arith.constant 16 : i32
        %mul3A_214 = arith.muli %scan3A_212, %mul3A_213 : i32
        %get3A = arith.index_cast %mul3A_214 : i32 to index
        %get3A_215 = tpu.vector_load %arg11[%get3A] {strides = array<i32>} : memref<4096xi32, #tpu.memory_space<vmem>>, vector<16xi32>,
        %broadcast_in_dim3A_216 = arith.constant true
        %broadcast_in_dim3A_217 = vector.broadcast %broadcast_in_dim3A_216 : i1 to vector<16xi1>
        %masked_cumsum3A = tpu.scan <sum>, %get3A_215 masked %broadcast_in_dim3A_217 : vector<16xi32>, vector<16xi1> -> vector<16xi32>
        %sub3A = arith.subi %masked_cumsum3A, %get3A_215 : vector<16xi32>
        %mul3A_218 = arith.constant 16 : i32
        %mul3A_219 = arith.muli %scan3A_212, %mul3A_218 : i32
        %swap3A = arith.index_cast %mul3A_219 : i32 to index
        %swap3A_220 = tpu.vector_load %arg12[%swap3A] {strides = array<i32>} : memref<4096xi32, #tpu.memory_space<vmem>>, vector<16xi32>,
        tpu.vector_store %arg12[%swap3A], %sub3A {strides = array<i32>} : memref<4096xi32, #tpu.memory_space<vmem>>, vector<16xi32>,
        %reduce_sum3A = arith.constant true
        %reduce_sum3A_221 = vector.broadcast %reduce_sum3A : i1 to vector<16xi1>
        %reduce_sum3A_222 = tpu.scan <sum>, %get3A_215 masked %reduce_sum3A_221 : vector<16xi32>, vector<16xi1> -> vector<16xi32>
        %reduce_sum3A_223 = vector.extract %reduce_sum3A_222[15] : i32 from vector<16xi32>
        %broadcast_in_dim3A_224 = vector.broadcast %scan3A_212 : i32 to vector<16xi32>
        %broadcast_in_dim3A_225 = vector.broadcast %reduce_sum3A_223 : i32 to vector<16xi32>
        %eq3A = arith.constant 0 : i32
        %eq3A_226 = vector.broadcast %eq3A : i32 to vector<16xi32>
        %eq3A_227 = arith.cmpi eq, %iota3A, %eq3A_226 : vector<16xi32>
        tpu.vector_store_idx %arg13[%broadcast_in_dim3A_224], %broadcast_in_dim3A_225 masked %eq3A_227 : memref<256xi32, #tpu.memory_space<vmem>>[vector<16xi32>], vector<16xi32>, vector<16xi1>
      }
      %scan3A_79 = arith.constant 256 : i32
      %scan3A_80 = arith.constant 0 : i32
      %scan3A_81 = arith.constant 0 : i32
      %scan3A_82 = arith.constant 16 : i32
      %scan3A_83 = arith.addi %scan3A_81, %scan3A_82 : i32
      %scan3A_84 = arith.constant 1 : i32
      %scan3A_85 = scf.for %scan3A_212 = %scan3A_81 to %scan3A_83 step %scan3A_84 iter_args(%scan3A_213 = %scan3A_80) -> (i32)  : i32 {
        %mul3A_214 = arith.constant 16 : i32
        %mul3A_215 = arith.muli %scan3A_212, %mul3A_214 : i32
        %get3A = arith.index_cast %mul3A_215 : i32 to index
        %get3A_216 = tpu.vector_load %arg13[%get3A] {strides = array<i32>} : memref<256xi32, #tpu.memory_space<vmem>>, vector<16xi32>,
        %broadcast_in_dim3A_217 = arith.constant true
        %broadcast_in_dim3A_218 = vector.broadcast %broadcast_in_dim3A_217 : i1 to vector<16xi1>
        %masked_cumsum3A = tpu.scan <sum>, %get3A_216 masked %broadcast_in_dim3A_218 : vector<16xi32>, vector<16xi1> -> vector<16xi32>
        %add3A_219 = vector.broadcast %scan3A_213 : i32 to vector<16xi32>
        %add3A_220 = arith.addi %masked_cumsum3A, %add3A_219 : vector<16xi32>
        %sub3A = arith.subi %add3A_220, %get3A_216 : vector<16xi32>
        %mul3A_221 = arith.constant 16 : i32
        %mul3A_222 = arith.muli %scan3A_212, %mul3A_221 : i32
        %swap3A = arith.index_cast %mul3A_222 : i32 to index
        %swap3A_223 = tpu.vector_load %arg14[%swap3A] {strides = array<i32>} : memref<256xi32, #tpu.memory_space<vmem>>, vector<16xi32>,
        tpu.vector_store %arg14[%swap3A], %sub3A {strides = array<i32>} : memref<256xi32, #tpu.memory_space<vmem>>, vector<16xi32>,
        %reduce_sum3A = arith.constant true
        %reduce_sum3A_224 = vector.broadcast %reduce_sum3A : i1 to vector<16xi1>
        %reduce_sum3A_225 = tpu.scan <sum>, %get3A_216 masked %reduce_sum3A_224 : vector<16xi32>, vector<16xi1> -> vector<16xi32>
        %reduce_sum3A_226 = vector.extract %reduce_sum3A_225[15] : i32 from vector<16xi32>
        %add3A_227 = arith.addi %scan3A_213, %reduce_sum3A_226 : i32
        scf.yield %add3A_227 : i32
      }
      %scan3A_86 = arith.constant 16 : i32
      %scan3A_87 = arith.constant 0 : i32
      %scan3A_88 = arith.constant 0 : i32
      %scan3A_89 = arith.constant 256 : i32
      %scan3A_90 = arith.addi %scan3A_88, %scan3A_89 : i32
      %scan3A_91 = arith.constant 1 : i32
      scf.for %scan3A_212 = %scan3A_88 to %scan3A_90 step %scan3A_91  : i32 {
        %broadcast_in_dim3A_213 = vector.broadcast %scan3A_212 : i32 to vector<16xi32>
        %gather3A = tpu.vector_load_idx %arg14[%broadcast_in_dim3A_213] : memref<256xi32, #tpu.memory_space<vmem>>[vector<16xi32>], vector<16xi32>,
        %mul3A_214 = arith.constant 16 : i32
        %mul3A_215 = arith.muli %scan3A_212, %mul3A_214 : i32
        %get3A = arith.index_cast %mul3A_215 : i32 to index
        %get3A_216 = tpu.vector_load %arg12[%get3A] {strides = array<i32>} : memref<4096xi32, #tpu.memory_space<vmem>>, vector<16xi32>,
        %add3A_217 = arith.addi %gather3A, %get3A_216 : vector<16xi32>
        %mul3A_218 = arith.constant 16 : i32
        %mul3A_219 = arith.muli %scan3A_212, %mul3A_218 : i32
        %swap3A = arith.index_cast %mul3A_219 : i32 to index
        %swap3A_220 = tpu.vector_load %arg15[%swap3A] {strides = array<i32>} : memref<4096xi32, #tpu.memory_space<vmem>>, vector<16xi32>,
        tpu.vector_store %arg15[%swap3A], %add3A_217 {strides = array<i32>} : memref<4096xi32, #tpu.memory_space<vmem>>, vector<16xi32>,
      }
      %scan3A_92 = arith.constant 256 : i32
      %scan3A_93 = arith.constant 0 : i32
      %scan3A_94 = arith.constant 0 : i32
      %scan3A_95 = arith.constant 512 : i32
      %scan3A_96 = arith.addi %scan3A_94, %scan3A_95 : i32
      %scan3A_97 = arith.constant 1 : i32
      scf.for %scan3A_212 = %scan3A_94 to %scan3A_96 step %scan3A_97  : i32 {
        %mul3A_213 = arith.constant 512 : i32
        %mul3A_214 = vector.broadcast %mul3A_213 : i32 to vector<16xi32>
        %mul3A_215 = arith.muli %iota3A, %mul3A_214 : vector<16xi32>
        %add3A_216 = vector.broadcast %scan3A_212 : i32 to vector<16xi32>
        %add3A_217 = arith.addi %mul3A_215, %add3A_216 : vector<16xi32>
        %gather3A = tpu.vector_load_idx %arg7[%add3A_217] : memref<8192xi32, #tpu.memory_space<vmem>>[vector<16xi32>], vector<16xi32>,
        %gather3A_218 = tpu.vector_load_idx %arg8[%add3A_217] : memref<8192xi32, #tpu.memory_space<vmem>>[vector<16xi32>], vector<16xi32>,
        %shift_right_arithmetic3A = arith.constant 0 : i32
        %shift_right_arithmetic3A_219 = vector.broadcast %shift_right_arithmetic3A : i32 to vector<16xi32>
        %shift_right_arithmetic3A_220 = arith.shrsi %gather3A, %shift_right_arithmetic3A_219 : vector<16xi32>
        %and3A = arith.constant 255 : i32
        %and3A_221 = vector.broadcast %and3A : i32 to vector<16xi32>
        %and3A_222 = arith.andi %shift_right_arithmetic3A_220, %and3A_221 : vector<16xi32>
        %mul3A_223 = arith.constant 16 : i32
        %mul3A_224 = vector.broadcast %mul3A_223 : i32 to vector<16xi32>
        %mul3A_225 = arith.muli %and3A_222, %mul3A_224 : vector<16xi32>
        %add3A_226 = arith.addi %mul3A_225, %iota3A : vector<16xi32>
        %gather3A_227 = tpu.vector_load_idx %arg15[%add3A_226] : memref<4096xi32, #tpu.memory_space<vmem>>[vector<16xi32>], vector<16xi32>,
        %add3A_228 = arith.constant 1 : i32
        %add3A_229 = vector.broadcast %add3A_228 : i32 to vector<16xi32>
        %add3A_230 = arith.addi %gather3A_227, %add3A_229 : vector<16xi32>
        tpu.vector_store_idx %arg15[%add3A_226], %add3A_230 : memref<4096xi32, #tpu.memory_space<vmem>>[vector<16xi32>], vector<16xi32>,
        tpu.vector_store_idx %arg9[%gather3A_227], %gather3A : memref<8192xi32, #tpu.memory_space<vmem>>[vector<16xi32>], vector<16xi32>,
        tpu.vector_store_idx %arg10[%gather3A_227], %gather3A_218 : memref<8192xi32, #tpu.memory_space<vmem>>[vector<16xi32>], vector<16xi32>,
      }
      %scan3A_98 = arith.constant 512 : i32
      %scan3A_99 = arith.constant 0 : i32
      %scan3A_100 = arith.constant 0 : i32
      %scan3A_101 = arith.constant 256 : i32
      %scan3A_102 = arith.addi %scan3A_100, %scan3A_101 : i32
      %scan3A_103 = arith.constant 1 : i32
      scf.for %scan3A_212 = %scan3A_100 to %scan3A_102 step %scan3A_103  : i32 {
        %broadcast_in_dim3A_213 = arith.constant 0 : i32
        %broadcast_in_dim3A_214 = vector.broadcast %broadcast_in_dim3A_213 : i32 to vector<16xi32>
        %mul3A_215 = arith.constant 16 : i32
        %mul3A_216 = arith.muli %scan3A_212, %mul3A_215 : i32
        %swap3A = arith.index_cast %mul3A_216 : i32 to index
        %swap3A_217 = tpu.vector_load %arg11[%swap3A] {strides = array<i32>} : memref<4096xi32, #tpu.memory_space<vmem>>, vector<16xi32>,
        tpu.vector_store %arg11[%swap3A], %broadcast_in_dim3A_214 {strides = array<i32>} : memref<4096xi32, #tpu.memory_space<vmem>>, vector<16xi32>,
      }
      %scan3A_104 = arith.constant 256 : i32
      %scan3A_105 = arith.constant 0 : i32
      %scan3A_106 = arith.constant 0 : i32
      %scan3A_107 = arith.constant 512 : i32
      %scan3A_108 = arith.addi %scan3A_106, %scan3A_107 : i32
      %scan3A_109 = arith.constant 1 : i32
      scf.for %scan3A_212 = %scan3A_106 to %scan3A_108 step %scan3A_109  : i32 {
        %mul3A_213 = arith.constant 512 : i32
        %mul3A_214 = vector.broadcast %mul3A_213 : i32 to vector<16xi32>
        %mul3A_215 = arith.muli %iota3A, %mul3A_214 : vector<16xi32>
        %add3A_216 = vector.broadcast %scan3A_212 : i32 to vector<16xi32>
        %add3A_217 = arith.addi %mul3A_215, %add3A_216 : vector<16xi32>
        %gather3A = tpu.vector_load_idx %arg9[%add3A_217] : memref<8192xi32, #tpu.memory_space<vmem>>[vector<16xi32>], vector<16xi32>,
        %shift_right_arithmetic3A = arith.constant 8 : i32
        %shift_right_arithmetic3A_218 = vector.broadcast %shift_right_arithmetic3A : i32 to vector<16xi32>
        %shift_right_arithmetic3A_219 = arith.shrsi %gather3A, %shift_right_arithmetic3A_218 : vector<16xi32>
        %and3A = arith.constant 255 : i32
        %and3A_220 = vector.broadcast %and3A : i32 to vector<16xi32>
        %and3A_221 = arith.andi %shift_right_arithmetic3A_219, %and3A_220 : vector<16xi32>
        %mul3A_222 = arith.constant 16 : i32
        %mul3A_223 = vector.broadcast %mul3A_222 : i32 to vector<16xi32>
        %mul3A_224 = arith.muli %and3A_221, %mul3A_223 : vector<16xi32>
        %add3A_225 = arith.addi %mul3A_224, %iota3A : vector<16xi32>
        tpu.vector_store_idx %arg11[%add3A_225], %broadcast_in_dim3A_55 {add = true} : memref<4096xi32, #tpu.memory_space<vmem>>[vector<16xi32>], vector<16xi32>,
      }
      %scan3A_110 = arith.constant 512 : i32
      %scan3A_111 = arith.constant 0 : i32
      %scan3A_112 = arith.constant 0 : i32
      %scan3A_113 = arith.constant 256 : i32
      %scan3A_114 = arith.addi %scan3A_112, %scan3A_113 : i32
      %scan3A_115 = arith.constant 1 : i32
      scf.for %scan3A_212 = %scan3A_112 to %scan3A_114 step %scan3A_115  : i32 {
        %mul3A_213 = arith.constant 16 : i32
        %mul3A_214 = arith.muli %scan3A_212, %mul3A_213 : i32
        %get3A = arith.index_cast %mul3A_214 : i32 to index
        %get3A_215 = tpu.vector_load %arg11[%get3A] {strides = array<i32>} : memref<4096xi32, #tpu.memory_space<vmem>>, vector<16xi32>,
        %broadcast_in_dim3A_216 = arith.constant true
        %broadcast_in_dim3A_217 = vector.broadcast %broadcast_in_dim3A_216 : i1 to vector<16xi1>
        %masked_cumsum3A = tpu.scan <sum>, %get3A_215 masked %broadcast_in_dim3A_217 : vector<16xi32>, vector<16xi1> -> vector<16xi32>
        %sub3A = arith.subi %masked_cumsum3A, %get3A_215 : vector<16xi32>
        %mul3A_218 = arith.constant 16 : i32
        %mul3A_219 = arith.muli %scan3A_212, %mul3A_218 : i32
        %swap3A = arith.index_cast %mul3A_219 : i32 to index
        %swap3A_220 = tpu.vector_load %arg12[%swap3A] {strides = array<i32>} : memref<4096xi32, #tpu.memory_space<vmem>>, vector<16xi32>,
        tpu.vector_store %arg12[%swap3A], %sub3A {strides = array<i32>} : memref<4096xi32, #tpu.memory_space<vmem>>, vector<16xi32>,
        %reduce_sum3A = arith.constant true
        %reduce_sum3A_221 = vector.broadcast %reduce_sum3A : i1 to vector<16xi1>
        %reduce_sum3A_222 = tpu.scan <sum>, %get3A_215 masked %reduce_sum3A_221 : vector<16xi32>, vector<16xi1> -> vector<16xi32>
        %reduce_sum3A_223 = vector.extract %reduce_sum3A_222[15] : i32 from vector<16xi32>
        %broadcast_in_dim3A_224 = vector.broadcast %scan3A_212 : i32 to vector<16xi32>
        %broadcast_in_dim3A_225 = vector.broadcast %reduce_sum3A_223 : i32 to vector<16xi32>
        %eq3A = arith.constant 0 : i32
        %eq3A_226 = vector.broadcast %eq3A : i32 to vector<16xi32>
        %eq3A_227 = arith.cmpi eq, %iota3A, %eq3A_226 : vector<16xi32>
        tpu.vector_store_idx %arg13[%broadcast_in_dim3A_224], %broadcast_in_dim3A_225 masked %eq3A_227 : memref<256xi32, #tpu.memory_space<vmem>>[vector<16xi32>], vector<16xi32>, vector<16xi1>
      }
      %scan3A_116 = arith.constant 256 : i32
      %scan3A_117 = arith.constant 0 : i32
      %scan3A_118 = arith.constant 0 : i32
      %scan3A_119 = arith.constant 16 : i32
      %scan3A_120 = arith.addi %scan3A_118, %scan3A_119 : i32
      %scan3A_121 = arith.constant 1 : i32
      %scan3A_122 = scf.for %scan3A_212 = %scan3A_118 to %scan3A_120 step %scan3A_121 iter_args(%scan3A_213 = %scan3A_117) -> (i32)  : i32 {
        %mul3A_214 = arith.constant 16 : i32
        %mul3A_215 = arith.muli %scan3A_212, %mul3A_214 : i32
        %get3A = arith.index_cast %mul3A_215 : i32 to index
        %get3A_216 = tpu.vector_load %arg13[%get3A] {strides = array<i32>} : memref<256xi32, #tpu.memory_space<vmem>>, vector<16xi32>,
        %broadcast_in_dim3A_217 = arith.constant true
        %broadcast_in_dim3A_218 = vector.broadcast %broadcast_in_dim3A_217 : i1 to vector<16xi1>
        %masked_cumsum3A = tpu.scan <sum>, %get3A_216 masked %broadcast_in_dim3A_218 : vector<16xi32>, vector<16xi1> -> vector<16xi32>
        %add3A_219 = vector.broadcast %scan3A_213 : i32 to vector<16xi32>
        %add3A_220 = arith.addi %masked_cumsum3A, %add3A_219 : vector<16xi32>
        %sub3A = arith.subi %add3A_220, %get3A_216 : vector<16xi32>
        %mul3A_221 = arith.constant 16 : i32
        %mul3A_222 = arith.muli %scan3A_212, %mul3A_221 : i32
        %swap3A = arith.index_cast %mul3A_222 : i32 to index
        %swap3A_223 = tpu.vector_load %arg14[%swap3A] {strides = array<i32>} : memref<256xi32, #tpu.memory_space<vmem>>, vector<16xi32>,
        tpu.vector_store %arg14[%swap3A], %sub3A {strides = array<i32>} : memref<256xi32, #tpu.memory_space<vmem>>, vector<16xi32>,
        %reduce_sum3A = arith.constant true
        %reduce_sum3A_224 = vector.broadcast %reduce_sum3A : i1 to vector<16xi1>
        %reduce_sum3A_225 = tpu.scan <sum>, %get3A_216 masked %reduce_sum3A_224 : vector<16xi32>, vector<16xi1> -> vector<16xi32>
        %reduce_sum3A_226 = vector.extract %reduce_sum3A_225[15] : i32 from vector<16xi32>
        %add3A_227 = arith.addi %scan3A_213, %reduce_sum3A_226 : i32
        scf.yield %add3A_227 : i32
      }
      %scan3A_123 = arith.constant 16 : i32
      %scan3A_124 = arith.constant 0 : i32
      %scan3A_125 = arith.constant 0 : i32
      %scan3A_126 = arith.constant 256 : i32
      %scan3A_127 = arith.addi %scan3A_125, %scan3A_126 : i32
      %scan3A_128 = arith.constant 1 : i32
      scf.for %scan3A_212 = %scan3A_125 to %scan3A_127 step %scan3A_128  : i32 {
        %broadcast_in_dim3A_213 = vector.broadcast %scan3A_212 : i32 to vector<16xi32>
        %gather3A = tpu.vector_load_idx %arg14[%broadcast_in_dim3A_213] : memref<256xi32, #tpu.memory_space<vmem>>[vector<16xi32>], vector<16xi32>,
        %mul3A_214 = arith.constant 16 : i32
        %mul3A_215 = arith.muli %scan3A_212, %mul3A_214 : i32
        %get3A = arith.index_cast %mul3A_215 : i32 to index
        %get3A_216 = tpu.vector_load %arg12[%get3A] {strides = array<i32>} : memref<4096xi32, #tpu.memory_space<vmem>>, vector<16xi32>,
        %add3A_217 = arith.addi %gather3A, %get3A_216 : vector<16xi32>
        %mul3A_218 = arith.constant 16 : i32
        %mul3A_219 = arith.muli %scan3A_212, %mul3A_218 : i32
        %swap3A = arith.index_cast %mul3A_219 : i32 to index
        %swap3A_220 = tpu.vector_load %arg15[%swap3A] {strides = array<i32>} : memref<4096xi32, #tpu.memory_space<vmem>>, vector<16xi32>,
        tpu.vector_store %arg15[%swap3A], %add3A_217 {strides = array<i32>} : memref<4096xi32, #tpu.memory_space<vmem>>, vector<16xi32>,
      }
      %scan3A_129 = arith.constant 256 : i32
      %scan3A_130 = arith.constant 0 : i32
      %scan3A_131 = arith.constant 0 : i32
      %scan3A_132 = arith.constant 512 : i32
      %scan3A_133 = arith.addi %scan3A_131, %scan3A_132 : i32
      %scan3A_134 = arith.constant 1 : i32
      scf.for %scan3A_212 = %scan3A_131 to %scan3A_133 step %scan3A_134  : i32 {
        %mul3A_213 = arith.constant 512 : i32
        %mul3A_214 = vector.broadcast %mul3A_213 : i32 to vector<16xi32>
        %mul3A_215 = arith.muli %iota3A, %mul3A_214 : vector<16xi32>
        %add3A_216 = vector.broadcast %scan3A_212 : i32 to vector<16xi32>
        %add3A_217 = arith.addi %mul3A_215, %add3A_216 : vector<16xi32>
        %gather3A = tpu.vector_load_idx %arg9[%add3A_217] : memref<8192xi32, #tpu.memory_space<vmem>>[vector<16xi32>], vector<16xi32>,
        %gather3A_218 = tpu.vector_load_idx %arg10[%add3A_217] : memref<8192xi32, #tpu.memory_space<vmem>>[vector<16xi32>], vector<16xi32>,
        %shift_right_arithmetic3A = arith.constant 8 : i32
        %shift_right_arithmetic3A_219 = vector.broadcast %shift_right_arithmetic3A : i32 to vector<16xi32>
        %shift_right_arithmetic3A_220 = arith.shrsi %gather3A, %shift_right_arithmetic3A_219 : vector<16xi32>
        %and3A = arith.constant 255 : i32
        %and3A_221 = vector.broadcast %and3A : i32 to vector<16xi32>
        %and3A_222 = arith.andi %shift_right_arithmetic3A_220, %and3A_221 : vector<16xi32>
        %mul3A_223 = arith.constant 16 : i32
        %mul3A_224 = vector.broadcast %mul3A_223 : i32 to vector<16xi32>
        %mul3A_225 = arith.muli %and3A_222, %mul3A_224 : vector<16xi32>
        %add3A_226 = arith.addi %mul3A_225, %iota3A : vector<16xi32>
        %gather3A_227 = tpu.vector_load_idx %arg15[%add3A_226] : memref<4096xi32, #tpu.memory_space<vmem>>[vector<16xi32>], vector<16xi32>,
        %add3A_228 = arith.constant 1 : i32
        %add3A_229 = vector.broadcast %add3A_228 : i32 to vector<16xi32>
        %add3A_230 = arith.addi %gather3A_227, %add3A_229 : vector<16xi32>
        tpu.vector_store_idx %arg15[%add3A_226], %add3A_230 : memref<4096xi32, #tpu.memory_space<vmem>>[vector<16xi32>], vector<16xi32>,
        tpu.vector_store_idx %arg7[%gather3A_227], %gather3A : memref<8192xi32, #tpu.memory_space<vmem>>[vector<16xi32>], vector<16xi32>,
        tpu.vector_store_idx %arg8[%gather3A_227], %gather3A_218 : memref<8192xi32, #tpu.memory_space<vmem>>[vector<16xi32>], vector<16xi32>,
      }
      %scan3A_135 = arith.constant 512 : i32
      %scan3A_136 = arith.constant 0 : i32
      %scan3A_137 = arith.constant 0 : i32
      %scan3A_138 = arith.constant 256 : i32
      %scan3A_139 = arith.addi %scan3A_137, %scan3A_138 : i32
      %scan3A_140 = arith.constant 1 : i32
      scf.for %scan3A_212 = %scan3A_137 to %scan3A_139 step %scan3A_140  : i32 {
        %broadcast_in_dim3A_213 = arith.constant 0 : i32
        %broadcast_in_dim3A_214 = vector.broadcast %broadcast_in_dim3A_213 : i32 to vector<16xi32>
        %mul3A_215 = arith.constant 16 : i32
        %mul3A_216 = arith.muli %scan3A_212, %mul3A_215 : i32
        %swap3A = arith.index_cast %mul3A_216 : i32 to index
        %swap3A_217 = tpu.vector_load %arg11[%swap3A] {strides = array<i32>} : memref<4096xi32, #tpu.memory_space<vmem>>, vector<16xi32>,
        tpu.vector_store %arg11[%swap3A], %broadcast_in_dim3A_214 {strides = array<i32>} : memref<4096xi32, #tpu.memory_space<vmem>>, vector<16xi32>,
      }
      %scan3A_141 = arith.constant 256 : i32
      %scan3A_142 = arith.constant 0 : i32
      %scan3A_143 = arith.constant 0 : i32
      %scan3A_144 = arith.constant 512 : i32
      %scan3A_145 = arith.addi %scan3A_143, %scan3A_144 : i32
      %scan3A_146 = arith.constant 1 : i32
      scf.for %scan3A_212 = %scan3A_143 to %scan3A_145 step %scan3A_146  : i32 {
        %mul3A_213 = arith.constant 512 : i32
        %mul3A_214 = vector.broadcast %mul3A_213 : i32 to vector<16xi32>
        %mul3A_215 = arith.muli %iota3A, %mul3A_214 : vector<16xi32>
        %add3A_216 = vector.broadcast %scan3A_212 : i32 to vector<16xi32>
        %add3A_217 = arith.addi %mul3A_215, %add3A_216 : vector<16xi32>
        %gather3A = tpu.vector_load_idx %arg7[%add3A_217] : memref<8192xi32, #tpu.memory_space<vmem>>[vector<16xi32>], vector<16xi32>,
        %shift_right_arithmetic3A = arith.constant 16 : i32
        %shift_right_arithmetic3A_218 = vector.broadcast %shift_right_arithmetic3A : i32 to vector<16xi32>
        %shift_right_arithmetic3A_219 = arith.shrsi %gather3A, %shift_right_arithmetic3A_218 : vector<16xi32>
        %and3A = arith.constant 255 : i32
        %and3A_220 = vector.broadcast %and3A : i32 to vector<16xi32>
        %and3A_221 = arith.andi %shift_right_arithmetic3A_219, %and3A_220 : vector<16xi32>
        %mul3A_222 = arith.constant 16 : i32
        %mul3A_223 = vector.broadcast %mul3A_222 : i32 to vector<16xi32>
        %mul3A_224 = arith.muli %and3A_221, %mul3A_223 : vector<16xi32>
        %add3A_225 = arith.addi %mul3A_224, %iota3A : vector<16xi32>
        tpu.vector_store_idx %arg11[%add3A_225], %broadcast_in_dim3A_55 {add = true} : memref<4096xi32, #tpu.memory_space<vmem>>[vector<16xi32>], vector<16xi32>,
      }
      %scan3A_147 = arith.constant 512 : i32
      %scan3A_148 = arith.constant 0 : i32
      %scan3A_149 = arith.constant 0 : i32
      %scan3A_150 = arith.constant 256 : i32
      %scan3A_151 = arith.addi %scan3A_149, %scan3A_150 : i32
      %scan3A_152 = arith.constant 1 : i32
      scf.for %scan3A_212 = %scan3A_149 to %scan3A_151 step %scan3A_152  : i32 {
        %mul3A_213 = arith.constant 16 : i32
        %mul3A_214 = arith.muli %scan3A_212, %mul3A_213 : i32
        %get3A = arith.index_cast %mul3A_214 : i32 to index
        %get3A_215 = tpu.vector_load %arg11[%get3A] {strides = array<i32>} : memref<4096xi32, #tpu.memory_space<vmem>>, vector<16xi32>,
        %broadcast_in_dim3A_216 = arith.constant true
        %broadcast_in_dim3A_217 = vector.broadcast %broadcast_in_dim3A_216 : i1 to vector<16xi1>
        %masked_cumsum3A = tpu.scan <sum>, %get3A_215 masked %broadcast_in_dim3A_217 : vector<16xi32>, vector<16xi1> -> vector<16xi32>
        %sub3A = arith.subi %masked_cumsum3A, %get3A_215 : vector<16xi32>
        %mul3A_218 = arith.constant 16 : i32
        %mul3A_219 = arith.muli %scan3A_212, %mul3A_218 : i32
        %swap3A = arith.index_cast %mul3A_219 : i32 to index
        %swap3A_220 = tpu.vector_load %arg12[%swap3A] {strides = array<i32>} : memref<4096xi32, #tpu.memory_space<vmem>>, vector<16xi32>,
        tpu.vector_store %arg12[%swap3A], %sub3A {strides = array<i32>} : memref<4096xi32, #tpu.memory_space<vmem>>, vector<16xi32>,
        %reduce_sum3A = arith.constant true
        %reduce_sum3A_221 = vector.broadcast %reduce_sum3A : i1 to vector<16xi1>
        %reduce_sum3A_222 = tpu.scan <sum>, %get3A_215 masked %reduce_sum3A_221 : vector<16xi32>, vector<16xi1> -> vector<16xi32>
        %reduce_sum3A_223 = vector.extract %reduce_sum3A_222[15] : i32 from vector<16xi32>
        %broadcast_in_dim3A_224 = vector.broadcast %scan3A_212 : i32 to vector<16xi32>
        %broadcast_in_dim3A_225 = vector.broadcast %reduce_sum3A_223 : i32 to vector<16xi32>
        %eq3A = arith.constant 0 : i32
        %eq3A_226 = vector.broadcast %eq3A : i32 to vector<16xi32>
        %eq3A_227 = arith.cmpi eq, %iota3A, %eq3A_226 : vector<16xi32>
        tpu.vector_store_idx %arg13[%broadcast_in_dim3A_224], %broadcast_in_dim3A_225 masked %eq3A_227 : memref<256xi32, #tpu.memory_space<vmem>>[vector<16xi32>], vector<16xi32>, vector<16xi1>
      }
      %scan3A_153 = arith.constant 256 : i32
      %scan3A_154 = arith.constant 0 : i32
      %scan3A_155 = arith.constant 0 : i32
      %scan3A_156 = arith.constant 16 : i32
      %scan3A_157 = arith.addi %scan3A_155, %scan3A_156 : i32
      %scan3A_158 = arith.constant 1 : i32
      %scan3A_159 = scf.for %scan3A_212 = %scan3A_155 to %scan3A_157 step %scan3A_158 iter_args(%scan3A_213 = %scan3A_154) -> (i32)  : i32 {
        %mul3A_214 = arith.constant 16 : i32
        %mul3A_215 = arith.muli %scan3A_212, %mul3A_214 : i32
        %get3A = arith.index_cast %mul3A_215 : i32 to index
        %get3A_216 = tpu.vector_load %arg13[%get3A] {strides = array<i32>} : memref<256xi32, #tpu.memory_space<vmem>>, vector<16xi32>,
        %broadcast_in_dim3A_217 = arith.constant true
        %broadcast_in_dim3A_218 = vector.broadcast %broadcast_in_dim3A_217 : i1 to vector<16xi1>
        %masked_cumsum3A = tpu.scan <sum>, %get3A_216 masked %broadcast_in_dim3A_218 : vector<16xi32>, vector<16xi1> -> vector<16xi32>
        %add3A_219 = vector.broadcast %scan3A_213 : i32 to vector<16xi32>
        %add3A_220 = arith.addi %masked_cumsum3A, %add3A_219 : vector<16xi32>
        %sub3A = arith.subi %add3A_220, %get3A_216 : vector<16xi32>
        %mul3A_221 = arith.constant 16 : i32
        %mul3A_222 = arith.muli %scan3A_212, %mul3A_221 : i32
        %swap3A = arith.index_cast %mul3A_222 : i32 to index
        %swap3A_223 = tpu.vector_load %arg14[%swap3A] {strides = array<i32>} : memref<256xi32, #tpu.memory_space<vmem>>, vector<16xi32>,
        tpu.vector_store %arg14[%swap3A], %sub3A {strides = array<i32>} : memref<256xi32, #tpu.memory_space<vmem>>, vector<16xi32>,
        %reduce_sum3A = arith.constant true
        %reduce_sum3A_224 = vector.broadcast %reduce_sum3A : i1 to vector<16xi1>
        %reduce_sum3A_225 = tpu.scan <sum>, %get3A_216 masked %reduce_sum3A_224 : vector<16xi32>, vector<16xi1> -> vector<16xi32>
        %reduce_sum3A_226 = vector.extract %reduce_sum3A_225[15] : i32 from vector<16xi32>
        %add3A_227 = arith.addi %scan3A_213, %reduce_sum3A_226 : i32
        scf.yield %add3A_227 : i32
      }
      %scan3A_160 = arith.constant 16 : i32
      %scan3A_161 = arith.constant 0 : i32
      %scan3A_162 = arith.constant 0 : i32
      %scan3A_163 = arith.constant 256 : i32
      %scan3A_164 = arith.addi %scan3A_162, %scan3A_163 : i32
      %scan3A_165 = arith.constant 1 : i32
      scf.for %scan3A_212 = %scan3A_162 to %scan3A_164 step %scan3A_165  : i32 {
        %broadcast_in_dim3A_213 = vector.broadcast %scan3A_212 : i32 to vector<16xi32>
        %gather3A = tpu.vector_load_idx %arg14[%broadcast_in_dim3A_213] : memref<256xi32, #tpu.memory_space<vmem>>[vector<16xi32>], vector<16xi32>,
        %mul3A_214 = arith.constant 16 : i32
        %mul3A_215 = arith.muli %scan3A_212, %mul3A_214 : i32
        %get3A = arith.index_cast %mul3A_215 : i32 to index
        %get3A_216 = tpu.vector_load %arg12[%get3A] {strides = array<i32>} : memref<4096xi32, #tpu.memory_space<vmem>>, vector<16xi32>,
        %add3A_217 = arith.addi %gather3A, %get3A_216 : vector<16xi32>
        %mul3A_218 = arith.constant 16 : i32
        %mul3A_219 = arith.muli %scan3A_212, %mul3A_218 : i32
        %swap3A = arith.index_cast %mul3A_219 : i32 to index
        %swap3A_220 = tpu.vector_load %arg15[%swap3A] {strides = array<i32>} : memref<4096xi32, #tpu.memory_space<vmem>>, vector<16xi32>,
        tpu.vector_store %arg15[%swap3A], %add3A_217 {strides = array<i32>} : memref<4096xi32, #tpu.memory_space<vmem>>, vector<16xi32>,
      }
      %scan3A_166 = arith.constant 256 : i32
      %scan3A_167 = arith.constant 0 : i32
      %scan3A_168 = arith.constant 0 : i32
      %scan3A_169 = arith.constant 512 : i32
      %scan3A_170 = arith.addi %scan3A_168, %scan3A_169 : i32
      %scan3A_171 = arith.constant 1 : i32
      scf.for %scan3A_212 = %scan3A_168 to %scan3A_170 step %scan3A_171  : i32 {
        %mul3A_213 = arith.constant 512 : i32
        %mul3A_214 = vector.broadcast %mul3A_213 : i32 to vector<16xi32>
        %mul3A_215 = arith.muli %iota3A, %mul3A_214 : vector<16xi32>
        %add3A_216 = vector.broadcast %scan3A_212 : i32 to vector<16xi32>
        %add3A_217 = arith.addi %mul3A_215, %add3A_216 : vector<16xi32>
        %gather3A = tpu.vector_load_idx %arg7[%add3A_217] : memref<8192xi32, #tpu.memory_space<vmem>>[vector<16xi32>], vector<16xi32>,
        %gather3A_218 = tpu.vector_load_idx %arg8[%add3A_217] : memref<8192xi32, #tpu.memory_space<vmem>>[vector<16xi32>], vector<16xi32>,
        %shift_right_arithmetic3A = arith.constant 16 : i32
        %shift_right_arithmetic3A_219 = vector.broadcast %shift_right_arithmetic3A : i32 to vector<16xi32>
        %shift_right_arithmetic3A_220 = arith.shrsi %gather3A, %shift_right_arithmetic3A_219 : vector<16xi32>
        %and3A = arith.constant 255 : i32
        %and3A_221 = vector.broadcast %and3A : i32 to vector<16xi32>
        %and3A_222 = arith.andi %shift_right_arithmetic3A_220, %and3A_221 : vector<16xi32>
        %mul3A_223 = arith.constant 16 : i32
        %mul3A_224 = vector.broadcast %mul3A_223 : i32 to vector<16xi32>
        %mul3A_225 = arith.muli %and3A_222, %mul3A_224 : vector<16xi32>
        %add3A_226 = arith.addi %mul3A_225, %iota3A : vector<16xi32>
        %gather3A_227 = tpu.vector_load_idx %arg15[%add3A_226] : memref<4096xi32, #tpu.memory_space<vmem>>[vector<16xi32>], vector<16xi32>,
        %add3A_228 = arith.constant 1 : i32
        %add3A_229 = vector.broadcast %add3A_228 : i32 to vector<16xi32>
        %add3A_230 = arith.addi %gather3A_227, %add3A_229 : vector<16xi32>
        tpu.vector_store_idx %arg15[%add3A_226], %add3A_230 : memref<4096xi32, #tpu.memory_space<vmem>>[vector<16xi32>], vector<16xi32>,
        tpu.vector_store_idx %arg9[%gather3A_227], %gather3A : memref<8192xi32, #tpu.memory_space<vmem>>[vector<16xi32>], vector<16xi32>,
        tpu.vector_store_idx %arg10[%gather3A_227], %gather3A_218 : memref<8192xi32, #tpu.memory_space<vmem>>[vector<16xi32>], vector<16xi32>,
      }
      %scan3A_172 = arith.constant 512 : i32
      %scan3A_173 = arith.constant 0 : i32
      %scan3A_174 = arith.constant 0 : i32
      %scan3A_175 = arith.constant 256 : i32
      %scan3A_176 = arith.addi %scan3A_174, %scan3A_175 : i32
      %scan3A_177 = arith.constant 1 : i32
      scf.for %scan3A_212 = %scan3A_174 to %scan3A_176 step %scan3A_177  : i32 {
        %broadcast_in_dim3A_213 = arith.constant 0 : i32
        %broadcast_in_dim3A_214 = vector.broadcast %broadcast_in_dim3A_213 : i32 to vector<16xi32>
        %mul3A_215 = arith.constant 16 : i32
        %mul3A_216 = arith.muli %scan3A_212, %mul3A_215 : i32
        %swap3A = arith.index_cast %mul3A_216 : i32 to index
        %swap3A_217 = tpu.vector_load %arg11[%swap3A] {strides = array<i32>} : memref<4096xi32, #tpu.memory_space<vmem>>, vector<16xi32>,
        tpu.vector_store %arg11[%swap3A], %broadcast_in_dim3A_214 {strides = array<i32>} : memref<4096xi32, #tpu.memory_space<vmem>>, vector<16xi32>,
      }
      %scan3A_178 = arith.constant 256 : i32
      %scan3A_179 = arith.constant 0 : i32
      %scan3A_180 = arith.constant 0 : i32
      %scan3A_181 = arith.constant 512 : i32
      %scan3A_182 = arith.addi %scan3A_180, %scan3A_181 : i32
      %scan3A_183 = arith.constant 1 : i32
      scf.for %scan3A_212 = %scan3A_180 to %scan3A_182 step %scan3A_183  : i32 {
        %mul3A_213 = arith.constant 512 : i32
        %mul3A_214 = vector.broadcast %mul3A_213 : i32 to vector<16xi32>
        %mul3A_215 = arith.muli %iota3A, %mul3A_214 : vector<16xi32>
        %add3A_216 = vector.broadcast %scan3A_212 : i32 to vector<16xi32>
        %add3A_217 = arith.addi %mul3A_215, %add3A_216 : vector<16xi32>
        %gather3A = tpu.vector_load_idx %arg9[%add3A_217] : memref<8192xi32, #tpu.memory_space<vmem>>[vector<16xi32>], vector<16xi32>,
        %shift_right_arithmetic3A = arith.constant 24 : i32
        %shift_right_arithmetic3A_218 = vector.broadcast %shift_right_arithmetic3A : i32 to vector<16xi32>
        %shift_right_arithmetic3A_219 = arith.shrsi %gather3A, %shift_right_arithmetic3A_218 : vector<16xi32>
        %and3A = arith.constant 255 : i32
        %and3A_220 = vector.broadcast %and3A : i32 to vector<16xi32>
        %and3A_221 = arith.andi %shift_right_arithmetic3A_219, %and3A_220 : vector<16xi32>
        %mul3A_222 = arith.constant 16 : i32
        %mul3A_223 = vector.broadcast %mul3A_222 : i32 to vector<16xi32>
        %mul3A_224 = arith.muli %and3A_221, %mul3A_223 : vector<16xi32>
        %add3A_225 = arith.addi %mul3A_224, %iota3A : vector<16xi32>
        tpu.vector_store_idx %arg11[%add3A_225], %broadcast_in_dim3A_55 {add = true} : memref<4096xi32, #tpu.memory_space<vmem>>[vector<16xi32>], vector<16xi32>,
      }
      %scan3A_184 = arith.constant 512 : i32
      %scan3A_185 = arith.constant 0 : i32
      %scan3A_186 = arith.constant 0 : i32
      %scan3A_187 = arith.constant 256 : i32
      %scan3A_188 = arith.addi %scan3A_186, %scan3A_187 : i32
      %scan3A_189 = arith.constant 1 : i32
      scf.for %scan3A_212 = %scan3A_186 to %scan3A_188 step %scan3A_189  : i32 {
        %mul3A_213 = arith.constant 16 : i32
        %mul3A_214 = arith.muli %scan3A_212, %mul3A_213 : i32
        %get3A = arith.index_cast %mul3A_214 : i32 to index
        %get3A_215 = tpu.vector_load %arg11[%get3A] {strides = array<i32>} : memref<4096xi32, #tpu.memory_space<vmem>>, vector<16xi32>,
        %broadcast_in_dim3A_216 = arith.constant true
        %broadcast_in_dim3A_217 = vector.broadcast %broadcast_in_dim3A_216 : i1 to vector<16xi1>
        %masked_cumsum3A = tpu.scan <sum>, %get3A_215 masked %broadcast_in_dim3A_217 : vector<16xi32>, vector<16xi1> -> vector<16xi32>
        %sub3A = arith.subi %masked_cumsum3A, %get3A_215 : vector<16xi32>
        %mul3A_218 = arith.constant 16 : i32
        %mul3A_219 = arith.muli %scan3A_212, %mul3A_218 : i32
        %swap3A = arith.index_cast %mul3A_219 : i32 to index
        %swap3A_220 = tpu.vector_load %arg12[%swap3A] {strides = array<i32>} : memref<4096xi32, #tpu.memory_space<vmem>>, vector<16xi32>,
        tpu.vector_store %arg12[%swap3A], %sub3A {strides = array<i32>} : memref<4096xi32, #tpu.memory_space<vmem>>, vector<16xi32>,
        %reduce_sum3A = arith.constant true
        %reduce_sum3A_221 = vector.broadcast %reduce_sum3A : i1 to vector<16xi1>
        %reduce_sum3A_222 = tpu.scan <sum>, %get3A_215 masked %reduce_sum3A_221 : vector<16xi32>, vector<16xi1> -> vector<16xi32>
        %reduce_sum3A_223 = vector.extract %reduce_sum3A_222[15] : i32 from vector<16xi32>
        %broadcast_in_dim3A_224 = vector.broadcast %scan3A_212 : i32 to vector<16xi32>
        %broadcast_in_dim3A_225 = vector.broadcast %reduce_sum3A_223 : i32 to vector<16xi32>
        %eq3A = arith.constant 0 : i32
        %eq3A_226 = vector.broadcast %eq3A : i32 to vector<16xi32>
        %eq3A_227 = arith.cmpi eq, %iota3A, %eq3A_226 : vector<16xi32>
        tpu.vector_store_idx %arg13[%broadcast_in_dim3A_224], %broadcast_in_dim3A_225 masked %eq3A_227 : memref<256xi32, #tpu.memory_space<vmem>>[vector<16xi32>], vector<16xi32>, vector<16xi1>
      }
      %scan3A_190 = arith.constant 256 : i32
      %scan3A_191 = arith.constant 0 : i32
      %scan3A_192 = arith.constant 0 : i32
      %scan3A_193 = arith.constant 16 : i32
      %scan3A_194 = arith.addi %scan3A_192, %scan3A_193 : i32
      %scan3A_195 = arith.constant 1 : i32
      %scan3A_196 = scf.for %scan3A_212 = %scan3A_192 to %scan3A_194 step %scan3A_195 iter_args(%scan3A_213 = %scan3A_191) -> (i32)  : i32 {
        %mul3A_214 = arith.constant 16 : i32
        %mul3A_215 = arith.muli %scan3A_212, %mul3A_214 : i32
        %get3A = arith.index_cast %mul3A_215 : i32 to index
        %get3A_216 = tpu.vector_load %arg13[%get3A] {strides = array<i32>} : memref<256xi32, #tpu.memory_space<vmem>>, vector<16xi32>,
        %broadcast_in_dim3A_217 = arith.constant true
        %broadcast_in_dim3A_218 = vector.broadcast %broadcast_in_dim3A_217 : i1 to vector<16xi1>
        %masked_cumsum3A = tpu.scan <sum>, %get3A_216 masked %broadcast_in_dim3A_218 : vector<16xi32>, vector<16xi1> -> vector<16xi32>
        %add3A_219 = vector.broadcast %scan3A_213 : i32 to vector<16xi32>
        %add3A_220 = arith.addi %masked_cumsum3A, %add3A_219 : vector<16xi32>
        %sub3A = arith.subi %add3A_220, %get3A_216 : vector<16xi32>
        %mul3A_221 = arith.constant 16 : i32
        %mul3A_222 = arith.muli %scan3A_212, %mul3A_221 : i32
        %swap3A = arith.index_cast %mul3A_222 : i32 to index
        %swap3A_223 = tpu.vector_load %arg14[%swap3A] {strides = array<i32>} : memref<256xi32, #tpu.memory_space<vmem>>, vector<16xi32>,
        tpu.vector_store %arg14[%swap3A], %sub3A {strides = array<i32>} : memref<256xi32, #tpu.memory_space<vmem>>, vector<16xi32>,
        %reduce_sum3A = arith.constant true
        %reduce_sum3A_224 = vector.broadcast %reduce_sum3A : i1 to vector<16xi1>
        %reduce_sum3A_225 = tpu.scan <sum>, %get3A_216 masked %reduce_sum3A_224 : vector<16xi32>, vector<16xi1> -> vector<16xi32>
        %reduce_sum3A_226 = vector.extract %reduce_sum3A_225[15] : i32 from vector<16xi32>
        %add3A_227 = arith.addi %scan3A_213, %reduce_sum3A_226 : i32
        scf.yield %add3A_227 : i32
      }
      %scan3A_197 = arith.constant 16 : i32
      %scan3A_198 = arith.constant 0 : i32
      %scan3A_199 = arith.constant 0 : i32
      %scan3A_200 = arith.constant 256 : i32
      %scan3A_201 = arith.addi %scan3A_199, %scan3A_200 : i32
      %scan3A_202 = arith.constant 1 : i32
      scf.for %scan3A_212 = %scan3A_199 to %scan3A_201 step %scan3A_202  : i32 {
        %broadcast_in_dim3A_213 = vector.broadcast %scan3A_212 : i32 to vector<16xi32>
        %gather3A = tpu.vector_load_idx %arg14[%broadcast_in_dim3A_213] : memref<256xi32, #tpu.memory_space<vmem>>[vector<16xi32>], vector<16xi32>,
        %mul3A_214 = arith.constant 16 : i32
        %mul3A_215 = arith.muli %scan3A_212, %mul3A_214 : i32
        %get3A = arith.index_cast %mul3A_215 : i32 to index
        %get3A_216 = tpu.vector_load %arg12[%get3A] {strides = array<i32>} : memref<4096xi32, #tpu.memory_space<vmem>>, vector<16xi32>,
        %add3A_217 = arith.addi %gather3A, %get3A_216 : vector<16xi32>
        %mul3A_218 = arith.constant 16 : i32
        %mul3A_219 = arith.muli %scan3A_212, %mul3A_218 : i32
        %swap3A = arith.index_cast %mul3A_219 : i32 to index
        %swap3A_220 = tpu.vector_load %arg15[%swap3A] {strides = array<i32>} : memref<4096xi32, #tpu.memory_space<vmem>>, vector<16xi32>,
        tpu.vector_store %arg15[%swap3A], %add3A_217 {strides = array<i32>} : memref<4096xi32, #tpu.memory_space<vmem>>, vector<16xi32>,
      }
      %scan3A_203 = arith.constant 256 : i32
      %scan3A_204 = arith.constant 0 : i32
      %scan3A_205 = arith.constant 0 : i32
      %scan3A_206 = arith.constant 512 : i32
      %scan3A_207 = arith.addi %scan3A_205, %scan3A_206 : i32
      %scan3A_208 = arith.constant 1 : i32
      scf.for %scan3A_212 = %scan3A_205 to %scan3A_207 step %scan3A_208  : i32 {
        %mul3A_213 = arith.constant 512 : i32
        %mul3A_214 = vector.broadcast %mul3A_213 : i32 to vector<16xi32>
        %mul3A_215 = arith.muli %iota3A, %mul3A_214 : vector<16xi32>
        %add3A_216 = vector.broadcast %scan3A_212 : i32 to vector<16xi32>
        %add3A_217 = arith.addi %mul3A_215, %add3A_216 : vector<16xi32>
        %gather3A = tpu.vector_load_idx %arg9[%add3A_217] : memref<8192xi32, #tpu.memory_space<vmem>>[vector<16xi32>], vector<16xi32>,
        %gather3A_218 = tpu.vector_load_idx %arg10[%add3A_217] : memref<8192xi32, #tpu.memory_space<vmem>>[vector<16xi32>], vector<16xi32>,
        %shift_right_arithmetic3A = arith.constant 24 : i32
        %shift_right_arithmetic3A_219 = vector.broadcast %shift_right_arithmetic3A : i32 to vector<16xi32>
        %shift_right_arithmetic3A_220 = arith.shrsi %gather3A, %shift_right_arithmetic3A_219 : vector<16xi32>
        %and3A = arith.constant 255 : i32
        %and3A_221 = vector.broadcast %and3A : i32 to vector<16xi32>
        %and3A_222 = arith.andi %shift_right_arithmetic3A_220, %and3A_221 : vector<16xi32>
        %mul3A_223 = arith.constant 16 : i32
        %mul3A_224 = vector.broadcast %mul3A_223 : i32 to vector<16xi32>
        %mul3A_225 = arith.muli %and3A_222, %mul3A_224 : vector<16xi32>
        %add3A_226 = arith.addi %mul3A_225, %iota3A : vector<16xi32>
        %gather3A_227 = tpu.vector_load_idx %arg15[%add3A_226] : memref<4096xi32, #tpu.memory_space<vmem>>[vector<16xi32>], vector<16xi32>,
        %add3A_228 = arith.constant 1 : i32
        %add3A_229 = vector.broadcast %add3A_228 : i32 to vector<16xi32>
        %add3A_230 = arith.addi %gather3A_227, %add3A_229 : vector<16xi32>
        tpu.vector_store_idx %arg15[%add3A_226], %add3A_230 : memref<4096xi32, #tpu.memory_space<vmem>>[vector<16xi32>], vector<16xi32>,
        %mul3A_231 = arith.constant 8192 : i32
        %mul3A_232 = arith.muli %add3A_54, %mul3A_231 : i32
        %add3A_233 = vector.broadcast %mul3A_232 : i32 to vector<16xi32>
        %add3A_234 = arith.addi %gather3A_227, %add3A_233 : vector<16xi32>
        tpu.vector_store_idx %arg16[%gather3A_218], %add3A_234 : memref<8192xi32, #tpu.memory_space<vmem>>[vector<16xi32>], vector<16xi32>,
      }
      %scan3A_209 = arith.constant 512 : i32
      %mul3A_210 = arith.constant 8192 : i32
      %mul3A_211 = arith.muli %add3A_54, %mul3A_210 : i32
      "tpu.region"() ({
        %run_scoped3A = tpu.sem_alloc : memref<!tpu.dma_semaphore, #tpu.memory_space<semaphore_mem>>
        %dma_start3A_212 = tpu.memref_slice %arg5[%mul3A_211] : memref<32768xi32, #tpu.memory_space<hbm>> -> memref<8192xi32, #tpu.memory_space<hbm>>
        %dma_start3A_213 = tpu.memref_slice %arg5[%mul3A_211] : memref<32768xi32, #tpu.memory_space<hbm>> -> memref<8192xi32, #tpu.memory_space<hbm>>
        tpu.enqueue_dma source(%arg16 : memref<8192xi32, #tpu.memory_space<vmem>>) target(%dma_start3A_213 : memref<8192xi32, #tpu.memory_space<hbm>>) target_semaphore(%run_scoped3A : memref<!tpu.dma_semaphore, #tpu.memory_space<semaphore_mem>>)
        %dma_wait3A_214 = tpu.memref_slice %arg5[%mul3A_211] : memref<32768xi32, #tpu.memory_space<hbm>> -> memref<8192xi32, #tpu.memory_space<hbm>>
        %dma_wait3A_215 = tpu.memref_slice %arg5[%mul3A_211] : memref<32768xi32, #tpu.memory_space<hbm>> -> memref<8192xi32, #tpu.memory_space<hbm>>
        tpu.wait_dma2 semaphore(%run_scoped3A : memref<!tpu.dma_semaphore, #tpu.memory_space<semaphore_mem>>) src(%arg16 : memref<8192xi32, #tpu.memory_space<vmem>>) dst(%dma_wait3A_215 : memref<8192xi32, #tpu.memory_space<hbm>>)
        tpu.yield
      }) : () -> ()
    } else {
    }
    %barrier3A = arith.constant 0 : index
    tpu.barrier barrier_id(%barrier3A)
    %add3A_16 = arith.constant 0 : i32
    %add3A_17 = arith.addi %add3A, %add3A_16 : i32
    %dma_start3A_18 = tpu.memref_slice %arg5[%add3A_17] : memref<32768xi32, #tpu.memory_space<hbm>> -> memref<32xi32, #tpu.memory_space<hbm>>
    %dma_start3A_19 = tpu.memref_slice %arg5[%add3A_17] : memref<32768xi32, #tpu.memory_space<hbm>> -> memref<32xi32, #tpu.memory_space<hbm>>
    tpu.enqueue_dma source(%dma_start3A_19 : memref<32xi32, #tpu.memory_space<hbm>>) target(%arg17 : memref<32xi32, #tpu.memory_space<vmem>>) target_semaphore(%arg21 : memref<!tpu.dma_semaphore, #tpu.memory_space<semaphore_mem>>)
    %add3A_20 = arith.constant 32 : i32
    %add3A_21 = arith.addi %add3A, %add3A_20 : i32
    %dma_start3A_22 = tpu.memref_slice %arg5[%add3A_21] : memref<32768xi32, #tpu.memory_space<hbm>> -> memref<32xi32, #tpu.memory_space<hbm>>
    %dma_start3A_23 = tpu.memref_slice %arg5[%add3A_21] : memref<32768xi32, #tpu.memory_space<hbm>> -> memref<32xi32, #tpu.memory_space<hbm>>
    tpu.enqueue_dma source(%dma_start3A_23 : memref<32xi32, #tpu.memory_space<hbm>>) target(%arg18 : memref<32xi32, #tpu.memory_space<vmem>>) target_semaphore(%arg22 : memref<!tpu.dma_semaphore, #tpu.memory_space<semaphore_mem>>)
    %scan3A = arith.constant 0 : i32
    %scan3A_24 = arith.constant 0 : i32
    %scan3A_25 = arith.constant 15 : i32
    %scan3A_26 = arith.addi %scan3A_24, %scan3A_25 : i32
    %scan3A_27 = arith.constant 1 : i32
    scf.for %scan3A_52 = %scan3A_24 to %scan3A_26 step %scan3A_27  : i32 {
      %mul3A_53 = arith.constant 2 : i32
      %mul3A_54 = arith.muli %scan3A_52, %mul3A_53 : i32
      %dma_wait3A_55 = tpu.memref_slice %arg5[%add3A] : memref<32768xi32, #tpu.memory_space<hbm>> -> memref<32xi32, #tpu.memory_space<hbm>>
      %dma_wait3A_56 = tpu.memref_slice %arg5[%add3A] : memref<32768xi32, #tpu.memory_space<hbm>> -> memref<32xi32, #tpu.memory_space<hbm>>
      tpu.wait_dma2 semaphore(%arg21 : memref<!tpu.dma_semaphore, #tpu.memory_space<semaphore_mem>>) src(%dma_wait3A_56 : memref<32xi32, #tpu.memory_space<hbm>>) dst(%arg17 : memref<32xi32, #tpu.memory_space<vmem>>)
      %dma_wait3A_57 = arith.constant 0 : i32
      %dma_wait3A_58 = tpu.memref_slice %arg3[%add3A, %dma_wait3A_57] : memref<32768x1024xf32, #tpu.memory_space<hbm>> -> memref<32x1024xf32, #tpu.memory_space<hbm>>
      %dma_wait3A_59 = arith.constant 0 : i32
      %dma_wait3A_60 = tpu.memref_slice %arg3[%add3A, %dma_wait3A_59] : memref<32768x1024xf32, #tpu.memory_space<hbm>> -> memref<32x1024xf32, #tpu.memory_space<hbm>>
      tpu.wait_dma2 semaphore(%arg23 : memref<!tpu.dma_semaphore, #tpu.memory_space<semaphore_mem>>) src(%dma_wait3A_60 : memref<32x1024xf32, #tpu.memory_space<hbm>>) dst(%arg19 : memref<32x1024xf32, #tpu.memory_space<vmem>>)
      %dma_start3A_61 = arith.constant 0 : i32
      %dma_start3A_62 = arith.constant 0 : i32
      %dma_start3A_63 = tpu.memref_slice %arg4[%dma_start3A_61, %dma_start3A_62] : memref<32768x1024xf32, #tpu.memory_space<hbm>> -> memref<32768x1024xf32, #tpu.memory_space<hbm>>
      tpu.enqueue_indirect_dma source(%arg19 : memref<32x1024xf32, #tpu.memory_space<vmem>>) target(%dma_start3A_63 : memref<32768x1024xf32, #tpu.memory_space<hbm>>) offsets(%arg17 : memref<32xi32, #tpu.memory_space<vmem>>) semaphore(%arg25 : memref<!tpu.dma_semaphore, #tpu.memory_space<semaphore_mem>>)
      %dma_wait3A_64 = arith.constant 0 : i32
      %dma_wait3A_65 = arith.constant 0 : i32
      %dma_wait3A_66 = tpu.memref_slice %arg4[%dma_wait3A_64, %dma_wait3A_65] : memref<32768x1024xf32, #tpu.memory_space<hbm>> -> memref<32768x1024xf32, #tpu.memory_space<hbm>>
      tpu.wait_indirect_dma semaphore(%arg25 : memref<!tpu.dma_semaphore, #tpu.memory_space<semaphore_mem>>) src(%arg19 : memref<32x1024xf32, #tpu.memory_space<vmem>>) dst(%dma_wait3A_66 : memref<32768x1024xf32, #tpu.memory_space<hbm>>)
      %add3A_67 = arith.constant 0 : i32
      %add3A_68 = arith.addi %mul3A_54, %add3A_67 : i32
      %add3A_69 = arith.constant 2 : i32
      %add3A_70 = arith.addi %add3A_68, %add3A_69 : i32
      %mul3A_71 = arith.constant 32 : i32
      %mul3A_72 = arith.muli %add3A_70, %mul3A_71 : i32
      %add3A_73 = arith.addi %add3A, %mul3A_72 : i32
      %dma_start3A_74 = arith.constant 0 : i32
      %dma_start3A_75 = tpu.memref_slice %arg3[%add3A_73, %dma_start3A_74] : memref<32768x1024xf32, #tpu.memory_space<hbm>> -> memref<32x1024xf32, #tpu.memory_space<hbm>>
      %dma_start3A_76 = arith.constant 0 : i32
      %dma_start3A_77 = tpu.memref_slice %arg3[%add3A_73, %dma_start3A_76] : memref<32768x1024xf32, #tpu.memory_space<hbm>> -> memref<32x1024xf32, #tpu.memory_space<hbm>>
      tpu.enqueue_dma source(%dma_start3A_77 : memref<32x1024xf32, #tpu.memory_space<hbm>>) target(%arg19 : memref<32x1024xf32, #tpu.memory_space<vmem>>) target_semaphore(%arg23 : memref<!tpu.dma_semaphore, #tpu.memory_space<semaphore_mem>>)
      %add3A_78 = arith.constant 0 : i32
      %add3A_79 = arith.addi %mul3A_54, %add3A_78 : i32
      %add3A_80 = arith.constant 2 : i32
      %add3A_81 = arith.addi %add3A_79, %add3A_80 : i32
      %mul3A_82 = arith.constant 32 : i32
      %mul3A_83 = arith.muli %add3A_81, %mul3A_82 : i32
      %add3A_84 = arith.addi %add3A, %mul3A_83 : i32
      %dma_start3A_85 = tpu.memref_slice %arg5[%add3A_84] : memref<32768xi32, #tpu.memory_space<hbm>> -> memref<32xi32, #tpu.memory_space<hbm>>
      %dma_start3A_86 = tpu.memref_slice %arg5[%add3A_84] : memref<32768xi32, #tpu.memory_space<hbm>> -> memref<32xi32, #tpu.memory_space<hbm>>
      tpu.enqueue_dma source(%dma_start3A_86 : memref<32xi32, #tpu.memory_space<hbm>>) target(%arg17 : memref<32xi32, #tpu.memory_space<vmem>>) target_semaphore(%arg21 : memref<!tpu.dma_semaphore, #tpu.memory_space<semaphore_mem>>)
      %dma_wait3A_87 = tpu.memref_slice %arg5[%add3A] : memref<32768xi32, #tpu.memory_space<hbm>> -> memref<32xi32, #tpu.memory_space<hbm>>
      %dma_wait3A_88 = tpu.memref_slice %arg5[%add3A] : memref<32768xi32, #tpu.memory_space<hbm>> -> memref<32xi32, #tpu.memory_space<hbm>>
      tpu.wait_dma2 semaphore(%arg22 : memref<!tpu.dma_semaphore, #tpu.memory_space<semaphore_mem>>) src(%dma_wait3A_88 : memref<32xi32, #tpu.memory_space<hbm>>) dst(%arg18 : memref<32xi32, #tpu.memory_space<vmem>>)
      %dma_wait3A_89 = arith.constant 0 : i32
      %dma_wait3A_90 = tpu.memref_slice %arg3[%add3A, %dma_wait3A_89] : memref<32768x1024xf32, #tpu.memory_space<hbm>> -> memref<32x1024xf32, #tpu.memory_space<hbm>>
      %dma_wait3A_91 = arith.constant 0 : i32
      %dma_wait3A_92 = tpu.memref_slice %arg3[%add3A, %dma_wait3A_91] : memref<32768x1024xf32, #tpu.memory_space<hbm>> -> memref<32x1024xf32, #tpu.memory_space<hbm>>
      tpu.wait_dma2 semaphore(%arg24 : memref<!tpu.dma_semaphore, #tpu.memory_space<semaphore_mem>>) src(%dma_wait3A_92 : memref<32x1024xf32, #tpu.memory_space<hbm>>) dst(%arg20 : memref<32x1024xf32, #tpu.memory_space<vmem>>)
      %dma_start3A_93 = arith.constant 0 : i32
      %dma_start3A_94 = arith.constant 0 : i32
      %dma_start3A_95 = tpu.memref_slice %arg4[%dma_start3A_93, %dma_start3A_94] : memref<32768x1024xf32, #tpu.memory_space<hbm>> -> memref<32768x1024xf32, #tpu.memory_space<hbm>>
      tpu.enqueue_indirect_dma source(%arg20 : memref<32x1024xf32, #tpu.memory_space<vmem>>) target(%dma_start3A_95 : memref<32768x1024xf32, #tpu.memory_space<hbm>>) offsets(%arg18 : memref<32xi32, #tpu.memory_space<vmem>>) semaphore(%arg26 : memref<!tpu.dma_semaphore, #tpu.memory_space<semaphore_mem>>)
      %dma_wait3A_96 = arith.constant 0 : i32
      %dma_wait3A_97 = arith.constant 0 : i32
      %dma_wait3A_98 = tpu.memref_slice %arg4[%dma_wait3A_96, %dma_wait3A_97] : memref<32768x1024xf32, #tpu.memory_space<hbm>> -> memref<32768x1024xf32, #tpu.memory_space<hbm>>
      tpu.wait_indirect_dma semaphore(%arg26 : memref<!tpu.dma_semaphore, #tpu.memory_space<semaphore_mem>>) src(%arg20 : memref<32x1024xf32, #tpu.memory_space<vmem>>) dst(%dma_wait3A_98 : memref<32768x1024xf32, #tpu.memory_space<hbm>>)
      %add3A_99 = arith.constant 1 : i32
      %add3A_100 = arith.addi %mul3A_54, %add3A_99 : i32
      %add3A_101 = arith.constant 2 : i32
      %add3A_102 = arith.addi %add3A_100, %add3A_101 : i32
      %mul3A_103 = arith.constant 32 : i32
      %mul3A_104 = arith.muli %add3A_102, %mul3A_103 : i32
      %add3A_105 = arith.addi %add3A, %mul3A_104 : i32
      %dma_start3A_106 = arith.constant 0 : i32
      %dma_start3A_107 = tpu.memref_slice %arg3[%add3A_105, %dma_start3A_106] : memref<32768x1024xf32, #tpu.memory_space<hbm>> -> memref<32x1024xf32, #tpu.memory_space<hbm>>
      %dma_start3A_108 = arith.constant 0 : i32
      %dma_start3A_109 = tpu.memref_slice %arg3[%add3A_105, %dma_start3A_108] : memref<32768x1024xf32, #tpu.memory_space<hbm>> -> memref<32x1024xf32, #tpu.memory_space<hbm>>
      tpu.enqueue_dma source(%dma_start3A_109 : memref<32x1024xf32, #tpu.memory_space<hbm>>) target(%arg20 : memref<32x1024xf32, #tpu.memory_space<vmem>>) target_semaphore(%arg24 : memref<!tpu.dma_semaphore, #tpu.memory_space<semaphore_mem>>)
      %add3A_110 = arith.constant 1 : i32
      %add3A_111 = arith.addi %mul3A_54, %add3A_110 : i32
      %add3A_112 = arith.constant 2 : i32
      %add3A_113 = arith.addi %add3A_111, %add3A_112 : i32
      %mul3A_114 = arith.constant 32 : i32
      %mul3A_115 = arith.muli %add3A_113, %mul3A_114 : i32
      %add3A_116 = arith.addi %add3A, %mul3A_115 : i32
      %dma_start3A_117 = tpu.memref_slice %arg5[%add3A_116] : memref<32768xi32, #tpu.memory_space<hbm>> -> memref<32xi32, #tpu.memory_space<hbm>>
      %dma_start3A_118 = tpu.memref_slice %arg5[%add3A_116] : memref<32768xi32, #tpu.memory_space<hbm>> -> memref<32xi32, #tpu.memory_space<hbm>>
      tpu.enqueue_dma source(%dma_start3A_118 : memref<32xi32, #tpu.memory_space<hbm>>) target(%arg18 : memref<32xi32, #tpu.memory_space<vmem>>) target_semaphore(%arg22 : memref<!tpu.dma_semaphore, #tpu.memory_space<semaphore_mem>>)
    }
    %scan3A_28 = arith.constant 15 : i32
    %dma_wait3A = tpu.memref_slice %arg5[%add3A] : memref<32768xi32, #tpu.memory_space<hbm>> -> memref<32xi32, #tpu.memory_space<hbm>>
    %dma_wait3A_29 = tpu.memref_slice %arg5[%add3A] : memref<32768xi32, #tpu.memory_space<hbm>> -> memref<32xi32, #tpu.memory_space<hbm>>
    tpu.wait_dma2 semaphore(%arg21 : memref<!tpu.dma_semaphore, #tpu.memory_space<semaphore_mem>>) src(%dma_wait3A_29 : memref<32xi32, #tpu.memory_space<hbm>>) dst(%arg17 : memref<32xi32, #tpu.memory_space<vmem>>)
    %dma_wait3A_30 = arith.constant 0 : i32
    %dma_wait3A_31 = tpu.memref_slice %arg3[%add3A, %dma_wait3A_30] : memref<32768x1024xf32, #tpu.memory_space<hbm>> -> memref<32x1024xf32, #tpu.memory_space<hbm>>
    %dma_wait3A_32 = arith.constant 0 : i32
    %dma_wait3A_33 = tpu.memref_slice %arg3[%add3A, %dma_wait3A_32] : memref<32768x1024xf32, #tpu.memory_space<hbm>> -> memref<32x1024xf32, #tpu.memory_space<hbm>>
    tpu.wait_dma2 semaphore(%arg23 : memref<!tpu.dma_semaphore, #tpu.memory_space<semaphore_mem>>) src(%dma_wait3A_33 : memref<32x1024xf32, #tpu.memory_space<hbm>>) dst(%arg19 : memref<32x1024xf32, #tpu.memory_space<vmem>>)
    %dma_start3A_34 = arith.constant 0 : i32
    %dma_start3A_35 = arith.constant 0 : i32
    %dma_start3A_36 = tpu.memref_slice %arg4[%dma_start3A_34, %dma_start3A_35] : memref<32768x1024xf32, #tpu.memory_space<hbm>> -> memref<32768x1024xf32, #tpu.memory_space<hbm>>
    tpu.enqueue_indirect_dma source(%arg19 : memref<32x1024xf32, #tpu.memory_space<vmem>>) target(%dma_start3A_36 : memref<32768x1024xf32, #tpu.memory_space<hbm>>) offsets(%arg17 : memref<32xi32, #tpu.memory_space<vmem>>) semaphore(%arg25 : memref<!tpu.dma_semaphore, #tpu.memory_space<semaphore_mem>>)
    %dma_wait3A_37 = arith.constant 0 : i32
    %dma_wait3A_38 = arith.constant 0 : i32
    %dma_wait3A_39 = tpu.memref_slice %arg4[%dma_wait3A_37, %dma_wait3A_38] : memref<32768x1024xf32, #tpu.memory_space<hbm>> -> memref<32768x1024xf32, #tpu.memory_space<hbm>>
    tpu.wait_indirect_dma semaphore(%arg25 : memref<!tpu.dma_semaphore, #tpu.memory_space<semaphore_mem>>) src(%arg19 : memref<32x1024xf32, #tpu.memory_space<vmem>>) dst(%dma_wait3A_39 : memref<32768x1024xf32, #tpu.memory_space<hbm>>)
    %dma_wait3A_40 = tpu.memref_slice %arg5[%add3A] : memref<32768xi32, #tpu.memory_space<hbm>> -> memref<32xi32, #tpu.memory_space<hbm>>
    %dma_wait3A_41 = tpu.memref_slice %arg5[%add3A] : memref<32768xi32, #tpu.memory_space<hbm>> -> memref<32xi32, #tpu.memory_space<hbm>>
    tpu.wait_dma2 semaphore(%arg22 : memref<!tpu.dma_semaphore, #tpu.memory_space<semaphore_mem>>) src(%dma_wait3A_41 : memref<32xi32, #tpu.memory_space<hbm>>) dst(%arg18 : memref<32xi32, #tpu.memory_space<vmem>>)
    %dma_wait3A_42 = arith.constant 0 : i32
    %dma_wait3A_43 = tpu.memref_slice %arg3[%add3A, %dma_wait3A_42] : memref<32768x1024xf32, #tpu.memory_space<hbm>> -> memref<32x1024xf32, #tpu.memory_space<hbm>>
    %dma_wait3A_44 = arith.constant 0 : i32
    %dma_wait3A_45 = tpu.memref_slice %arg3[%add3A, %dma_wait3A_44] : memref<32768x1024xf32, #tpu.memory_space<hbm>> -> memref<32x1024xf32, #tpu.memory_space<hbm>>
    tpu.wait_dma2 semaphore(%arg24 : memref<!tpu.dma_semaphore, #tpu.memory_space<semaphore_mem>>) src(%dma_wait3A_45 : memref<32x1024xf32, #tpu.memory_space<hbm>>) dst(%arg20 : memref<32x1024xf32, #tpu.memory_space<vmem>>)
    %dma_start3A_46 = arith.constant 0 : i32
    %dma_start3A_47 = arith.constant 0 : i32
    %dma_start3A_48 = tpu.memref_slice %arg4[%dma_start3A_46, %dma_start3A_47] : memref<32768x1024xf32, #tpu.memory_space<hbm>> -> memref<32768x1024xf32, #tpu.memory_space<hbm>>
    tpu.enqueue_indirect_dma source(%arg20 : memref<32x1024xf32, #tpu.memory_space<vmem>>) target(%dma_start3A_48 : memref<32768x1024xf32, #tpu.memory_space<hbm>>) offsets(%arg18 : memref<32xi32, #tpu.memory_space<vmem>>) semaphore(%arg26 : memref<!tpu.dma_semaphore, #tpu.memory_space<semaphore_mem>>)
    %dma_wait3A_49 = arith.constant 0 : i32
    %dma_wait3A_50 = arith.constant 0 : i32
    %dma_wait3A_51 = tpu.memref_slice %arg4[%dma_wait3A_49, %dma_wait3A_50] : memref<32768x1024xf32, #tpu.memory_space<hbm>> -> memref<32768x1024xf32, #tpu.memory_space<hbm>>
    tpu.wait_indirect_dma semaphore(%arg26 : memref<!tpu.dma_semaphore, #tpu.memory_space<semaphore_mem>>) src(%arg20 : memref<32x1024xf32, #tpu.memory_space<vmem>>) dst(%dma_wait3A_51 : memref<32768x1024xf32, #tpu.memory_space<hbm>>)
    return
  }
}

</mosaic_0001>

<sc_bundles>
// kernel: kernel.3.cloned.1.call-start
scs
__scs_entry_jumppad:
0x0: {  	(pc) =	sbr.rel $0x88, $3  }
0x1: {  	(tag) =	ssettag $0x0;
	lr =	simm.s32 $0x1  }
0x2: {  	[smem:$0x3F9F] =	sst lr;
	_ =	strace $0xD0000000  }
0x3: {  	_ = 	snop  }
0x4: {  	_ = 	snop  }
0x5: {  	_ = 	snop  }
0x6: {  	_ = 	snop  }
0x7: {  	_ = 	snop  }
__scs_overlays_trampoline_lowered:
0x8: {  	[smem:$0x3FAE] =	sst s0  }
0x9: {  	[smem:$0x3FAF] =	sst s1  }
0xa: {  	[smem:$0x3FB0] =	sst s2  }
0xb: {  	[smem:$0x3FB1] =	sst s3  }
0xc: {  	[smem:$0x3FB2] =	sst s4  }
0xd: {  	[smem:$0x3FB3] =	sst s5  }
0xe: {  	[smem:$0x3FB4] =	sst s6  }
0xf: {  	[smem:$0x3FB5] =	sst s7  }
0x10: {  	[smem:$0x3FB6] =	sst s8  }
0x11: {  	[smem:$0x3FB7] =	sst s9;
	s0 =	simm.s32 @!p0 $0x0  }
0x12: {  	s1 =	sld [smem:$0x3F9D];
	s0 =	simm.s32 @p0 $0x1  }
0x13: {  	[smem:$0x3FB8] =	sst s0;
	s0 =	simm.s32 @!p1 $0x0  }
0x14: {  	s2 =	sld [smem:$0x3F9C];
	s0 =	simm.s32 @p1 $0x1  }
0x15: {  	[smem:$0x3FB9] =	sst s0;
	s0 =	simm.s32 @!p2 $0x0  }
0x16: {  	s3 =	sld [smem:$0x3FDB];
	s0 =	simm.s32 @p2 $0x1  }
0x17: {  	s4 =	simm.s32 $0x1BF5;
	[smem:$0x3FBB] =	sst s0  }
0x18: {  	s0 =	sld [smem:$0x3F9E];
	_ =	swait.ge [sflag:s4], $0x0  }
0x19: {  	s7 =	sld [smem:$0x3F9F]  }
0x1a: {  	s8 =	sadd.s32 $0xFFFFE003, lr  }
0x1b: {  	s9 =	sadd.s32 $0xFFFFFEF7, lr;
	s5 =	simm.s32 $0xFFFFFFFF;
	p2 =	slt.u32 s8, $0xFFFFF086  }
0x1c: {  	p1 =	slt.u32 s9, $0xF7A;
	s5 =	simm.s32 @!p2 $0x0  }
0x1d: {  	s5 =	simm.s32 @p1 $0x1;
	p0 =	seq.s32 s7, s2  }
0x1e: {  	s7 =	smul.u32 @!p0 $0xF7A, s2;
	p2 =	seq.s32 @!p0 s5, $0x0  }
0x1f: {  	s9 =	smul.u32 $0xF7A, s1;
	s8 =	simm.s32 @!p0 $0x1BF5;
	p2 =	por !p2, p0  }
0x20: {  	[sflag:s8] =	ssyncset.s32 @!p0 $0xFFFFF086;
	s6 =	sadd.s32 @!p0 s3, s7;
	s7 =	simm.s32 @!p0 $0x108  }
0x21: {  	s3 =	sadd.s32 s3, s9;
	s6 =	sadd.s32 @!p0 $0x88, s6;
	s7 =	simm.s32 @p2 $0x1082  }
0x22: {  	[simem:s7], [sflag:s8] =	dma.local @!p0 [hbm:s6], $0xF7A  }
0x23: {  	s9 =	sor.u32 $0xD0000000, s2;
	s6 =	simm.s32 $0x108;
	_ =	swait.ge @!p0 [sflag:s8], $0x0  }
0x24: {  	s3 =	sadd.s32 $0x88, s3;
	s6 =	simm.s32 @!p1 $0x1082;
	[sflag:s4] =	ssyncset.s32 $0xFFFFF086  }
0x25: {  	[simem:s6], [sflag:s4] =	dma.local [hbm:s3], $0xF7A  }
0x26: {  	[smem:$0x3F9F] =	sst s1;
	(tag) =	ssettag s2;
	_ =	strace s9  }
0x27: {  	s1 =	sld [smem:$0x3FAF]  }
0x28: {  	s2 =	sld [smem:$0x3FB0]  }
0x29: {  	s4 =	sld [smem:$0x3FB2]  }
0x2a: {  	p0 =	seq.s32 s5, $0x0;
	s5 =	sld [smem:$0x3FB3]  }
0x2b: {  	s6 =	sld [smem:$0x3FB4]  }
0x2c: {  	s7 =	sld [smem:$0x3FB5]  }
0x2d: {  	s3 =	simm.s32 $0x108;
	s8 =	sld [smem:$0x3FB6]  }
0x2e: {  	s3 =	simm.s32 @!p0 $0x1082;
	s9 =	sld [smem:$0x3FB7]  }
0x2f: {  	lr =	sadd.s32 s0, s3;
	s0 =	sld [smem:$0x3FAE]  }
0x30: {  	s3 =	sld [smem:$0x3FB1]  }
0x31: {  	[smem:$0x3FBA] =	sst s10  }
0x32: {  	s10 =	sld [smem:$0x3FB8];
	_ =	sdelay $0x3  }
0x33: {  	p0 =	seq.s32 s10, $0x1;
	s10 =	sld [smem:$0x3FBA];
	_ =	sdelay $0x3  }
0x34: {  	[smem:$0x3FBA] =	sst s10  }
0x35: {  	s10 =	sld [smem:$0x3FB9];
	_ =	sdelay $0x3  }
0x36: {  	p1 =	seq.s32 s10, $0x1;
	s10 =	sld [smem:$0x3FBA];
	_ =	sdelay $0x3  }
0x37: {  	[smem:$0x3FBA] =	sst s10  }
0x38: {  	s10 =	sld [smem:$0x3FBB]  }
0x39: {  	_ = 	snop;
	(pc) =	sbr.ind lr, $3  }
0x3a: {  	_ = 	snop  }
0x3b: {  	_ = 	snop  }
0x3c: {  	p2 =	seq.s32 s10, $0x1;
	s10 =	sld [smem:$0x3FBA]  }
0x3d: {  	_ =	shalt  }
0x3e: {  	_ =	shalt  }
0x3f: {  	_ =	shalt  }
0x40: {  	_ =	shalt  }
0x41: {  	_ =	shalt  }
0x42: {  	_ =	shalt  }
0x43: {  	_ =	shalt  }
0x44: {  	_ =	shalt  }
0x45: {  	_ =	shalt  }
0x46: {  	_ =	shalt  }
0x47: {  	_ =	shalt  }
0x48: {  	_ =	shalt  }
0x49: {  	_ =	shalt  }
0x4a: {  	_ =	shalt  }
0x4b: {  	_ =	shalt  }
0x4c: {  	_ =	shalt  }
0x4d: {  	_ =	shalt  }
0x4e: {  	_ =	shalt  }
0x4f: {  	_ =	shalt  }
0x50: {  	_ =	shalt  }
0x51: {  	_ =	shalt  }
0x52: {  	_ =	shalt  }
0x53: {  	_ =	shalt  }
0x54: {  	_ =	shalt  }
0x55: {  	_ =	shalt  }
0x56: {  	_ =	shalt  }
0x57: {  	_ =	shalt  }
0x58: {  	_ =	shalt  }
0x59: {  	_ =	shalt  }
0x5a: {  	_ =	shalt  }
0x5b: {  	_ =	shalt  }
0x5c: {  	_ =	shalt  }
0x5d: {  	_ =	shalt  }
0x5e: {  	_ =	shalt  }
0x5f: {  	_ =	shalt  }
0x60: {  	_ =	shalt  }
0x61: {  	_ =	shalt  }
0x62: {  	_ =	shalt  }
0x63: {  	_ =	shalt  }
0x64: {  	_ =	shalt  }
0x65: {  	_ =	shalt  }
0x66: {  	_ =	shalt  }
0x67: {  	_ =	shalt  }
0x68: {  	_ =	shalt  }
0x69: {  	_ =	shalt  }
0x6a: {  	_ =	shalt  }
0x6b: {  	_ =	shalt  }
0x6c: {  	_ =	shalt  }
0x6d: {  	_ =	shalt  }
0x6e: {  	_ =	shalt  }
0x6f: {  	_ =	shalt  }
0x70: {  	_ =	shalt  }
0x71: {  	_ =	shalt  }
0x72: {  	_ =	shalt  }
0x73: {  	_ =	shalt  }
0x74: {  	_ =	shalt  }
0x75: {  	_ =	shalt  }
0x76: {  	_ =	shalt  }
0x77: {  	_ =	shalt  }
0x78: {  	_ =	shalt  }
0x79: {  	_ =	shalt  }
0x7a: {  	_ =	shalt  }
0x7b: {  	_ =	shalt  }
0x7c: {  	_ =	shalt  }
0x7d: {  	_ =	shalt  }
0x7e: {  	_ =	shalt  }
0x7f: {  	_ =	shalt  }
0x80: {  	_ =	shalt  }
0x81: {  	_ =	shalt  }
0x82: {  	_ =	shalt  }
0x83: {  	_ =	shalt  }
0x84: {  	_ =	shalt  }
0x85: {  	_ =	shalt  }
0x86: {  	_ =	shalt  }
0x87: {  	_ =	shalt  }
.Lfunc_end0:
.L_simem_size_0:
called_computation_lowered:
.L_overlay_start_0:
0x88: {  	s2 =	sld [smem:$0x3FD9]  }
0x89: {  	s3 =	sld [smem:$0x3FFE];
	_ =	sdelay $0x1  }
0x8a: {  	s1 =	srdreg.scid  }
0x8b: {  	s0 =	sand.u32 $0x1, s1  }
0x8c: {  	s17 =	sshll.u32 s0, $0xA;
	s2 =	sadd.s32 s3, s2  }
0x8d: {  	s2 =	sadd.s32 s2, s17  }
0x8e: {  	[smem:$0x3FC6] =	sst s2  }
0x8f: {  	_ = 	snop  }
0x90: {  	s2 =	sld [smem:$0x3FC9]  }
0x91: {  	s18 =	sld [smem:$0x3FC8]  }
0x92: {  	s4 =	sld [smem:$0x3FD0];
	(tm) =	ssettm $0x1  }
0x93: {  	s5 =	sld [smem:$0x3FFB];
	_ =	sdelay $0x3  }
0x94: {  	_ =	strace s5  }
0x95: {  	s5 =	sld [smem:$0x3FFC];
	_ =	sdelay $0x3  }
0x96: {  	_ =	strace s5  }
0x97: {  	s5 =	sld [smem:$0x3FFD];
	_ =	sdelay $0x3  }
0x98: {  	_ =	strace s5  }
0x99: {  	_ =	strace $0x8FFFFFFF  }
0x9a: {  	s19 =	sld [smem:$0x3FDB];
	_ =	sdelay $0x1  }
0x9b: {  	s6 =	simm.s32 $_scs_section_size  }
0x9c: {  	s7 =	simm.s32 $_size__tile_overlayer_lowered;
	s8 =	simm.s32 $_tile_overlayer_lowered  }
0x9d: {  	s22 =	simm.s32 $0x1BFF;
	s21 =	sshll.u32 s8, $0x1;
	s5 =	sadd.s32 s6, s19  }
0x9e: {  	s9 =	simm.s32 $0x0;
	s20 =	sshll.u32 s7, $0x1;
	s7 =	sadd.s32 s21, s5  }
0x9f: {  	[timem:s9], [sflag:s22] =	dma.local [hbm:s7], s20  }
0xa0: {  	_ =	swait.ge [sflag:s22], s20  }
0xa1: {  	s6 =	ssub.s32 $0x0, s20;
	[sflag:s22] =	ssyncset.done $0x0  }
0xa2: {  	[sflag:s22] =	ssyncadd.s32 s6;
	_ =	sdelay $0x1  }
0xa3: {  	s23 =	simm.s32 $0x1B8B  }
0xa4: {  	_ =	swait.ge [sflag:s23], $0x1  }
0xa5: {  	[sflag:s23] =	ssyncset.done $0x0  }
0xa6: {  	s25 =	simm.s32 $0x1B8E;
	s24 =	sld [smem:$0x3FFE];
	[sflag:s23] =	ssyncadd.s32 $0xFFFFFFFF  }
0xa7: {  	s26 =	simm.s32 $execute0_lowered;
	[smem:$0x3FD2] =	sst s25  }
0xa8: {  	s7 =	sshll.u32 s26, $0x1;
	_ =	strace $0x80000046;
	[dreg:$0x1] =	wrdreg $0xFFFFFFFF  }
0xa9: {  	s28 =	simm.s32 $_size_execute0_lowered;
	s5 =	sadd.s32 s5, s7;
	[dreg:$0x0] =	wrdreg $0x0  }
0xaa: {  	s7 =	sshll.u32 s28, $0x1;
	[dreg:$0x2] =	wrdreg s5  }
0xab: {  	[dreg:$0x3] =	wrdreg s7  }
0xac: {  	[dreg:$0x4] =	wrdreg $0xC0  }
0xad: {  	_ =	task [dreg:s9], $0x5FFFF  }
0xae: {  	[dreg:$0x1] =	wrdreg $0xFFFFFFFF  }
0xaf: {  	[dreg:$0x0] =	wrdreg $0x60  }
0xb0: {  	[dreg:$0x2] =	wrdreg s2  }
0xb1: {  	[dreg:$0x3] =	wrdreg s18  }
0xb2: {  	[dreg:$0x4] =	wrdreg s4  }
0xb3: {  	[dreg:$0x5] =	wrdreg s24  }
0xb4: {  	[dreg:$0x6] =	wrdreg $0x9  }
0xb5: {  	_ =	task.clear_ibuf [dreg:s9], $0x7FFFF;
	_ =	strace $0x90000046  }
0xb6: {  	s29 =	simm.s32 $0x9;
	_ =	strace $0x80000048  }
0xb7: {  	_ =	swait.ge [sflag:s29], $0x1  }
0xb8: {  	[sflag:s29] =	ssyncadd.s32 $0xFFFFFFFF  }
0xb9: {  	_ =	strace $0x90000048  }
0xba: {  	_ =	sfence  }
0xbb: {  	s30 =	sld [smem:$0x0];
	_ =	sdelay $0x2  }
0xbc: {  	s31 =	sshll.u32 s1, $0xD;
	s1 =	sshrl.u32 s1, $0x2  }
0xbd: {  	s3 =	sand.u32 $0x4000, s31;
	s1 =	sadd.s32 s1, s30  }
0xbe: {  	s0 =	sor.u32 s3, s0;
	s1 =	sshll.u32 s1, $0x11  }
0xbf: {  	s0 =	sor.u32 s1, s0  }
0xc0: {  	s0 =	sadd.s32 $0x8F2B, s0  }
0xc1: {  	[sflag:s0] =	ssyncadd.remote.s32 $0x1  }
0xc2: {  	_ =	sfence.sel $0xFFFF  }
0xc3: {  	[dreg:$0x0] =	wrdreg $0xFFFFFFFF;
	(pc) =	sbr.abs _section_cstart, $3  }
0xc4: {  	[dreg:$0x1] =	wrdreg $0xFFFFFFFF  }
0xc5: {  	_ =	task.clear_ibuf [dreg:s9], $0x2FFFF;
	_ =	strace $0x9FFFFFFF  }
0xc6: {  	(tm) =	ssettm $0x7FFFFFFF  }
0xc7: {  	_ =	shalt  }
tec
execute0_lowered:
.L_overlay_start_1:
0x0: {  	(tag) =	ssettag $0x1  }
0x1: {  	s0 =	rddreg [dreg:$0x0]  }
0x2: {  	s4 =	rddreg [dreg:$0x1]  }
0x3: {  	s1 =	rddreg [dreg:$0x2]  }
0x4: {  	s2 =	rddreg [dreg:$0x3];
	s3 =	simm.s32 $0x0  }
0x5: {  	s5 =	srdreg.scid;
	s13 =	stileid.u32;
	s28 =	simm.s32 $0xD200  }
0x6: {  	s29 =	simm.s32 $0xFB00;
	s31 =	simm.s32 $0x17300;
	[smem:$0x7FF] =	sst s3  }
0x7: {  	s5 =	sand.u32 $0x1, s5;
	s8 =	sshll.u32 s13, $0xA;
	s9 =	sadd.s32 $0x800, s2  }
0x8: {  	s24 =	sshll.u32 s13, $0x11;
	p0 =	sgt.u32 s13, $0x1;
	_ =	strace $0x80000047  }
0x9: {  	s6 =	ssub.s32 $0x2, s5;
	s7 =	sshll.u32 s5, $0xE;
	s17 =	sshll.u32 s5, $0x1  }
0xa: {  	s21 =	sshll.u32 s5, $0x15;
	s5 =	simm.s32 $0xF200;
	s16 =	sshrl.u32 s6, $0x1  }
0xb: {  	s7 =	sor.u32 s8, s7;
	s12 =	sadd.s32 s13, s17;
	s6 =	ssub.s32 s6, s16  }
0xc: {  	s8 =	sor.u32 $0x20, s7;
	s10 =	sshll.u32 s7, $0x7;
	s2 =	sshll.u32 s12, $0x4  }
0xd: {  	s18 =	sshll.u32 s12, $0xD;
	s19 =	sshll.u32 s12, $0xA;
	s20 =	sshrl.u32 s7, $0x3  }
0xe: {  	s12 =	sadd.s32 $0x300, s1;
	s23 =	sor.u32 $0x60, s7;
	s25 =	sor.u32 $0x40, s7  }
0xf: {  	s7 =	simm.s32 $0xF300;
	s11 =	sshll.u32 s8, $0x7;
	s15 =	sadd.s32 s4, s10  }
0x10: {  	s0 =	sadd.s32 s0, s2;
	s8 =	sshrl.u32 s8, $0x3;
	s16 =	sadd.s32 s9, s20  }
0x11: {  	s10 =	sadd.s32 $0x100, s1;
	s22 =	smax.u32 s6, $0x1;
	s26 =	sshrl.u32 s25, $0x3  }
0x12: {  	s20 =	simm.s32 $0x2000;
	s25 =	simm.s32 $0x6000;
	[dreg:$0x9] =	wrdreg s0  }
0x13: {  	v1 =	vmov s18;
	s18 =	simm.s32 $0x4;
	s14 =	sadd.s32 s4, s11;
	[dreg:$0xd] =	wrdreg s22  }
0x14: {  	s0 =	sadd.s32 s9, s19;
	s17 =	sadd.s32 s9, s8;
	[dreg:$0xb] =	wrdreg s16  }
0x15: {  	s11 =	sadd.s32 $0x200, s1;
	s30 =	sadd.s32 s26, s9;
	[dreg:$0x7] =	wrdreg s15  }
0x16: {  	s8 =	simm.s32 $0x17300;
	s22 =	simm.s32 $0xC100;
	[dreg:$0xa] =	wrdreg s0  }
0x17: {  	s26 =	simm.s32 $0x8000;
	s16 =	simm.s32 $0xF300;
	[dreg:$0x6] =	wrdreg s30  }
0x18: {  	s0 =	sadd.s32 s21, s4;
	s4 =	sshrl.u32 s23, $0x3;
	[dreg:$0x8] =	wrdreg s14  }
0x19: {  	s21 =	simm.s32 $0xC000;
	s23 =	simm.s32 $0x4000;
	[dreg:$0xc] =	wrdreg s17  }
0x1a: {  	v0 =	vlaneseq.u32;
	v2 =	vimm.s32 $0x0;
	v4 =	vimm.s32 $0x1;
	s0 =	sadd.s32 s24, s0;
	s4 =	sadd.s32 s4, s9;
	s24 =	simm.s32 $0xC200  }
0x1b: {  	vm0 =	vmmov $0xffff;
	v3 =	vmul.u32 $0x200, v0;
	v6 =	vshrl.u32 v0, $0x3;
	s9 =	simm.s32 $0x5;
	s6 =	sadd.s32 $0x3000, s0;
	[dreg:$0x5] =	wrdreg s4  }
0x1c: {  	v5 =	vand.u32 $0x7, v0;
	v7 =	vor.u32 $0x8, v0;
	v6 =	vmul.u32 $0x8, v6;
	s4 =	simm.s32 $0xF280;
	s0 =	simm.s32 $0x0;
	[dreg:$0xe] =	wrdreg s6  }
.LBB2_1:
.Ltmp0:
0x1d: {  	(pc) =	sbr.rel @p0 .LBB2_111-.Ltmp0, $4  }
0x1e: {  	_ = 	snop  }
0x1f: {  	[tilespmem:s7], [sflag:$0x3] =	stream.linear.gather [hbm4b:s15+s3], $0x8000, $0x38;
	[tilespmem:$0x1F300] =	vst v63  }
0x20: {  	s2 =	rddreg [dreg:$0x8]  }
0x21: {  	[tilespmem:s8], [sflag:$0x4] =	stream.linear.gather [hbm4b:s2+s3], $0x8000, $0x38;
	[tilespmem:$0x1F300] =	vst v63  }
0x22: {  	s7 =	simm.s32 $0x0;
	s2 =	rddreg [dreg:$0x9]  }
0x23: {  	s4 =	simm.s32 $0x80;
	s5 =	simm.s32 $0x200;
	s30 =	simm.s32 $0x7  }
0x24: {  	[tilespmem:s7], [sflag:$0x7] =	stream.strided.gather [hbm4b:s2+s4], $0x2000, s5, s4, $0x38;
	[tilespmem:$0x1F300] =	vst v63  }
0x25: {  	_ =	swait.ge [sflag:s30], $0x2000  }
0x26: {  	[sflag:s30] =	ssyncset.done $0x0  }
0x27: {  	[sflag:s30] =	ssyncadd.s32 $0xFFFFE000  }
0x28: {  	v8 =	vld [tilespmem:s7+$0x0];
	_ =	sdelay $0x4  }
0x29: {  	vm1 =	veq.f32 v8, $0.0e+00  }
0x2a: {  	v8 =	vsel vm1, $0x0, v8  }
0x2b: {  	v9 =	vshra.s32 v8, $0x1F  }
0x2c: {  	v9 =	vor.u32 $0x80000000, v9  }
0x2d: {  	s4 =	simm.s32 $0x2000;
	v8 =	vxor.u32 v8, v9  }
0x2e: {  	s2 =	simm.s32 $0x4000;
	[tilespmem:s4+$0x0] =	vst v8;
	v8 =	vor.u32 s7, v0  }
0x2f: {  	s7 =	simm.s32 $0x10;
	[tilespmem:s2+$0x0] =	vst v8  }
0x30: {  	v8 =	vld [tilespmem:s7+$0x0]  }
0x31: {  	s13 =	simm.s32 $0x20;
	s14 =	simm.s32 $0x10  }
.LBB2_3:
0x32: {  	p1 =	sne.s32 s13, $0x1FF0;
	_ =	sdelay $0x2  }
0x33: {  	vm1 =	veq.f32 v8, $0.0e+00  }
0x34: {  	v8 =	vsel vm1, $0x0, v8  }
0x35: {  	v9 =	vshra.s32 v8, $0x1F  }
0x36: {  	v9 =	vor.u32 $0x80000000, v9  }
.Ltmp1:
0x37: {  	s4 =	sadd.s32 $0x10, s4;
	v8 =	vxor.u32 v8, v9;
	(pc) =	sbr.rel @p1 .LBB2_3-.Ltmp1, $4  }
0x38: {  	s2 =	sadd.s32 $0x10, s2;
	[tilespmem:s4+$0x0] =	vst v8;
	v8 =	vor.u32 s7, v0;
	s7 =	smov.u32 s13  }
0x39: {  	s14 =	sadd.s32 $0x10, s14;
	[tilespmem:s2+$0x0] =	vst v8  }
0x3a: {  	v8 =	vld [tilespmem:s14+$0x0]  }
0x3b: {  	s13 =	sadd.s32 $0x10, s13  }
0x3c: {  	_ =	sdelay $0x2  }
0x3d: {  	vm1 =	veq.f32 v8, $0.0e+00  }
0x3e: {  	v8 =	vsel vm1, $0x0, v8  }
0x3f: {  	v9 =	vshra.s32 v8, $0x1F  }
0x40: {  	v9 =	vor.u32 $0x80000000, v9  }
0x41: {  	s4 =	sadd.s32 $0x10, s4;
	v8 =	vxor.u32 v8, v9  }
0x42: {  	s2 =	sadd.s32 $0x10, s2;
	[tilespmem:s4+$0x0] =	vst v8;
	v8 =	vor.u32 s7, v0  }
0x43: {  	s4 =	simm.s32 $0x0;
	[tilespmem:s2+$0x0] =	vst v8;
	s2 =	simm.s32 $0x40  }
.LBB2_5:
0x44: {  	p1 =	sne.s32 s2, $0x3FC0;
	[tilespmem:s4+$0xA000] =	vst v2;
	s4 =	smov.u32 s2;
	s2 =	sadd.s32 $0x40, s2  }
.Ltmp2:
0x45: {  	(pc) =	sbr.rel @p1 .LBB2_5-.Ltmp2, $2  }
0x46: {  	_ =	sdelay $0x2  }
0x47: {  	s4 =	sshra.s32 s4, $0x2  }
0x48: {  	[tilespmem:s4+$0xA000] =	vst v2;
	s2 =	simm.s32 $0x0;
	s4 =	simm.s32 $0x0  }
.LBB2_7:
0x49: {  	v8 =	vor.u32 s4, v3;
	_ =	sdelay $0x4  }
0x4a: {  	v8 =	vld.idx.msk [tilespmem:v8+s20+$0x0], $0xffff;
	_ =	sdelay $0x4  }
0x4b: {  	v8 =	vshll.u32 v8, $0x4  }
0x4c: {  	v8 =	vor.u32 v0, v8  }
0x4d: {  	p1 =	sne.s32 s4, $0x1FF;
	v8 =	vand.u32 $0xFFF, v8  }
.Ltmp3:
0x4e: {  	_ = 	snop;
	(pc) =	sbr.rel @p1 .LBB2_7-.Ltmp3, $3  }
0x4f: {  	_ =	sdelay $0x1  }
0x50: {  	s7 =	simm.s32 $0xA000  }
0x51: {  	s4 =	sadd.s32 $0x1, s4;
	[tilespmem:v8+s7+$0x0] =	vst.idx.add.s32.msk $0xffff, v4  }
0x52: {  	v8 =	vld [tilespmem:s7+$0x0];
	_ =	sdelay $0x4  }
0x53: {  	(xrf0) =	vadd.scan.msk.s32 $0xffff, v8;
	_ =	sdelay $0x3  }
0x54: {  	v9 =	vmov s2;
	_ =	sdelay $0x1  }
0x55: {  	v10, _, _ =	vpop (xrf0)  }
0x56: {  	s2 =	simm.s32 $0xB000;
	v8 =	vsub.s32 v10, v8;
	v10 =	vbroadcast v10, $0xF  }
0x57: {  	[tilespmem:s2+$0x0] =	vst v8  }
0x58: {  	s7 =	simm.s32 $0xA010;
	[tilespmem:v9+s21+$0x0] =	vst.idx.msk $0x1, v10  }
0x59: {  	s4 =	simm.s32 $0x1;
	s13 =	simm.s32 $0x2;
	v8 =	vld [tilespmem:s7+$0x0]  }
.LBB2_9:
0x5a: {  	p1 =	sne.s32 s13, $0xFF;
	_ =	sdelay $0x3  }
0x5b: {  	(xrf0) =	vadd.scan.msk.s32 $0xffff, v8;
	_ =	sdelay $0x3  }
0x5c: {  	v9 =	vmov s4;
	s4 =	smov.u32 s13;
	_ =	sdelay $0x1  }
.Ltmp4:
0x5d: {  	v10, _, _ =	vpop (xrf0);
	(pc) =	sbr.rel @p1 .LBB2_9-.Ltmp4, $4  }
0x5e: {  	s2 =	sadd.s32 $0x10, s2;
	v8 =	vsub.s32 v10, v8;
	v10 =	vbroadcast v10, $0xF  }
0x5f: {  	[tilespmem:s2+$0x0] =	vst v8  }
0x60: {  	s7 =	sadd.s32 $0x10, s7;
	[tilespmem:v9+s21+$0x0] =	vst.idx.msk $0x1, v10  }
0x61: {  	s13 =	sadd.s32 $0x1, s13;
	v8 =	vld [tilespmem:s7+$0x0]  }
0x62: {  	_ =	sdelay $0x3  }
0x63: {  	(xrf0) =	vadd.scan.msk.s32 $0xffff, v8;
	_ =	sdelay $0x3  }
0x64: {  	v9 =	vmov s4  }
0x65: {  	p4 =	por $0x1, $0x1  }
.Ltmp5:
0x66: {  	v10, _, _ =	vpop (xrf0);
	(pc) =	sbr.rel @!p4 .LBB2_11-.Ltmp5, $4  }
0x67: {  	s2 =	sadd.s32 $0x10, s2;
	v8 =	vsub.s32 v10, v8;
	v10 =	vbroadcast v10, $0xF  }
0x68: {  	[tilespmem:s2+$0x0] =	vst v8  }
0x69: {  	s13 =	simm.s32 $0x0;
	s19 =	simm.s32 $0x0;
	[tilespmem:v9+s21+$0x0] =	vst.idx.msk $0x1, v10  }
0x6a: {  	p2 =	por $0x0, $0x0;
	p3 =	por $0x0, $0x0;
	p1 =	por $0x0, $0x0;
	v10 =	vld [tilespmem:s19+$0xC000]  }
0x6b: {  	s7 =	simm.s32 $0x10;
	p4 =	por $0x1, $0x1  }
.Ltmp6:
0x6c: {  	v9 =	vld [tilespmem:s7+$0xC000];
	(pc) =	sbr.rel @!p4 .LBB2_13-.Ltmp6, $2  }
0x6d: {  	_ =	sdelay $0x2  }
0x6e: {  	p2 =	por $0x1, $0x1;
	(xrf0) =	vadd.scan.msk.s32 $0xffff, v10  }
0x6f: {  	_ =	sdelay $0x4  }
0x70: {  	v11, _, _ =	vpop (xrf0)  }
0x71: {  	(v2sf) =	vpush v11, $0xF;
	_ =	sdelay $0x4  }
0x72: {  	s29 =	simm.s32 $0x20;
	p4 =	por $0x1, $0x1  }
.Ltmp7:
0x73: {  	v16 =	vld [tilespmem:s29+$0xC000];
	(pc) =	sbr.rel @!p4 .LBB2_15-.Ltmp7, $2  }
0x74: {  	_ =	sdelay $0x2  }
0x75: {  	p3 =	por $0x1, $0x1;
	(xrf0) =	vadd.scan.msk.s32 $0xffff, v9  }
0x76: {  	_ =	sdelay $0x4  }
0x77: {  	v12, _, _ =	vpop (xrf0)  }
0x78: {  	(v2sf) =	vpush v12, $0xF;
	_ =	sdelay $0x3  }
0x79: {  	s14 =	simm.s32 $0x30;
	p5 =	por $0x1, $0x1;
	(xrf0) =	vadd.scan.msk.s32 $0xffff, v16  }
.Ltmp8:
0x7a: {  	v8 =	vld [tilespmem:s14+$0xC000];
	(pc) =	sbr.rel @!p5 .LBB2_17-.Ltmp8, $3  }
0x7b: {  	_ =	sdelay $0x1  }
0x7c: {  	s4 =	simm.s32 $0x100  }
0x7d: {  	p4 =	por $0x1, $0x1;
	s30 =	simm.s32 $0x0;
	v13 =	vmov v10;
	v14 =	vmov v11;
	s2 =	simm.s32 $0x0  }
.LBB2_18:
0x7e: {  	s5 =	sshra.s32 s4, $0x2;
	p5 =	sne.s32 s4, $0x3C0;
	s4 =	sadd.s32 $0x40, s4;
	(xrf0) =	vadd.scan.msk.s32 $0xffff, v8;
	v15, _, _ =	vpop (xrf0);
	v17 =	vsub.s32 s30, v13;
	v13 =	vmov v9;
	v9 =	vmov v16  }
.Ltmp9:
0x7f: {  	v16 =	vmovc v8;
	(v2sf) =	vpush v15, $0xF;
	v17 =	vadd.s32 v14, v17;
	v14 =	vmovc v12;
	v12 =	vmov v15;
	v8 =	vld [tilespmem:s5+$0xC000];
	(pc) =	sbr.rel @p5 .LBB2_18-.Ltmp9, $4  }
0x80: {  	[tilespmem:s2+$0xC100] =	vst v17;
	s2 =	smov.u32 s7;
	s7 =	smov.u32 s29;
	s29 =	smov.u32 s14  }
0x81: {  	s14 =	smov.u32 s5  }
0x82: {  	s5 =	spop (v2sf)  }
0x83: {  	s30 =	sadd.s32 s30, s5  }
0x84: {  	v15 =	vmov v9;
	s4 =	smov.u32 s7;
	v9 =	vmov v16;
	s7 =	smov.u32 s14  }
.LBB2_20:
0x85: {  	v16, _, _ =	vpop @p2 (xrf0)  }
0x86: {  	(xrf0) =	vadd.scan.msk.s32 $0xffff, v8;
	(v2sf) =	vpush @p2 v16, $0xF;
	_ =	sdelay $0x5  }
0x87: {  	v17, _, _ =	vpop (xrf0)  }
0x88: {  	(v2sf) =	vpush v17, $0xF;
	_ =	sdelay $0x2  }
0x89: {  	s5 =	spop @p4 (v2sf)  }
0x8a: {  	s14 =	simm.s32 $0x0;
	s5 =	sadd.s32 @p4 s30, s5  }
0x8b: {  	v9 =	vpsel p2, v9, v10;
	v15 =	vpsel p3, v15, v0;
	s14 =	smov.u32 @p4 s5;
	s5 =	spop @p3 (v2sf)  }
0x8c: {  	v10 =	vsub.s32 @p4 s30, v13;
	v12 =	vpsel p3, v12, v0;
	v13 =	vmovc @p2 v16;
	s30 =	simm.s32 $0x0;
	v15 =	vsub.s32 @p3 s14, v15;
	s5 =	sadd.s32 @p3 s14, s5;
	s14 =	smov.u32 @p2 s29  }
0x8d: {  	v10 =	vadd.s32 @p4 v14, v10;
	v11 =	vpsel p2, v13, v11;
	v13 =	vpsel p2, v9, v0;
	s30 =	smov.u32 @p3 s5;
	s19 =	smov.u32 @p2 s14  }
0x8e: {  	[tilespmem:s2+$0xC100] =	vst @p4 v10;
	s2 =	smov.u32 @p3 s4;
	v11 =	vpsel p2, v11, v0;
	v10 =	vadd.s32 @p3 v12, v15;
	s4 =	smov.u32 @p2 s19;
	v12 =	vsub.s32 @p2 s30, v13;
	s5 =	spop @p2 (v2sf)  }
0x8f: {  	[tilespmem:s2+$0xC100] =	vst @p3 v10;
	s2 =	smov.u32 @p2 s4;
	v10 =	vadd.s32 @p2 v11, v12;
	s5 =	sadd.s32 @p2 s30, s5  }
0x90: {  	v9 =	vmov s13;
	[tilespmem:s2+$0xC100] =	vst @p2 v10;
	s13 =	smov.u32 @p2 s5;
	p2 =	por $0x1, $0x1  }
.Ltmp10:
0x91: {  	_ = 	snop;
	(pc) =	sbr.rel @!p2 .LBB2_21-.Ltmp10, $4  }
0x92: {  	_ = 	snop  }
0x93: {  	v8 =	vsub.s32 s13, v8  }
0x94: {  	s4 =	simm.s32 $0x1;
	v8 =	vadd.s32 v17, v8  }
0x95: {  	s2 =	simm.s32 $0xC200;
	s13 =	simm.s32 $0xB000;
	[tilespmem:s7+$0xC100] =	vst v8;
	s30 =	spop (v2sf)  }
0x96: {  	p3 =	por $0x1, $0x1  }
.Ltmp11:
0x97: {  	_ = 	snop;
	(pc) =	sbr.rel @!p3 .LBB2_23-.Ltmp11, $3  }
0x98: {  	_ =	sdelay $0x1  }
0x99: {  	v8 =	vld.idx.msk [tilespmem:v9+s22+$0x0], $0xffff  }
0x9a: {  	v10 =	vld [tilespmem:s13+$0x0];
	v9 =	vmov s4;
	s7 =	simm.s32 $0x2;
	p2 =	por $0x1, $0x1  }
0x9b: {  	_ =	sdelay $0x3  }
0x9c: {  	p3 =	por $0x1, $0x1;
	v8 =	vadd.s32 v8, v10  }
.Ltmp12:
0x9d: {  	[tilespmem:s2+$0x0] =	vst v8;
	(pc) =	sbr.rel @!p3 .LBB2_25-.Ltmp12, $3  }
0x9e: {  	s4 =	simm.s32 $0xB010;
	v8 =	vld.idx.msk [tilespmem:v9+s22+$0x0], $0xffff  }
0x9f: {  	v10 =	vld [tilespmem:s4+$0x0];
	_ =	sdelay $0x1  }
0xa0: {  	s14 =	simm.s32 $0x3;
	p1 =	por $0x1, $0x1;
	v9 =	vmov s7;
	s7 =	simm.s32 $0xC200  }
.LBB2_26:
0xa1: {  	p3 =	sne.s32 s14, $0xFF;
	_ =	sdelay $0x1  }
0xa2: {  	s7 =	sadd.s32 $0x10, s7;
	v8 =	vadd.s32 v8, v10  }
.Ltmp13:
0xa3: {  	[tilespmem:s7+$0x0] =	vst v8;
	(pc) =	sbr.rel @p3 .LBB2_26-.Ltmp13, $3  }
0xa4: {  	s4 =	sadd.s32 $0x10, s4;
	v8 =	vld.idx.msk [tilespmem:v9+s22+$0x0], $0xffff  }
0xa5: {  	v10 =	vld [tilespmem:s4+$0x0];
	_ =	sdelay $0x1  }
0xa6: {  	v9 =	vmov s14;
	s14 =	sadd.s32 $0x1, s14  }
.LBB2_27:
0xa7: {  	_ = 	snop  }
0xa8: {  	s5 =	sadd.s32 @p1 $0x10, s7;
	s7 =	simm.s32 $0xC200  }
0xa9: {  	s7 =	smov.u32 @p1 s5;
	v8 =	vadd.s32 @p2 v8, v10  }
0xaa: {  	s4 =	sadd.s32 @p2 $0x10, s4;
	[tilespmem:s7+$0x0] =	vst @p2 v8  }
0xab: {  	s13 =	smov.u32 @p2 s4;
	v8 =	vld.idx.msk [tilespmem:v9+s22+$0x0], $0xffff  }
0xac: {  	s4 =	sadd.s32 @p2 $0x10, s7;
	v9 =	vld [tilespmem:s13+$0x0]  }
0xad: {  	s2 =	smov.u32 @p2 s4;
	p2 =	por $0x1, $0x1  }
.Ltmp14:
0xae: {  	_ = 	snop;
	(pc) =	sbr.rel @!p2 .LBB2_28-.Ltmp14, $3  }
0xaf: {  	_ =	sdelay $0x1  }
0xb0: {  	s30 =	simm.s32 $0x0;
	v8 =	vadd.s32 v8, v9  }
0xb1: {  	p1 =	por $0x0, $0x0;
	v9 =	vor.u32 s30, v3;
	[tilespmem:s2+$0x0] =	vst v8;
	s2 =	simm.s32 $0x1  }
0xb2: {  	_ =	sdelay $0x3  }
0xb3: {  	v8 =	vld.idx.msk [tilespmem:v9+s20+$0x0], $0xffff;
	_ =	sdelay $0x4  }
0xb4: {  	v10 =	vshll.u32 v8, $0x4  }
0xb5: {  	v10 =	vor.u32 v0, v10  }
0xb6: {  	v11 =	vand.u32 $0xFFF, v10;
	_ =	sdelay $0x4  }
0xb7: {  	v12 =	vld.idx.msk [tilespmem:v11+s24+$0x0], $0xffff  }
0xb8: {  	p2 =	por $0x1, $0x1  }
.Ltmp15:
0xb9: {  	_ = 	snop;
	(pc) =	sbr.rel @!p2 .LBB2_31-.Ltmp15, $4  }
0xba: {  	_ = 	snop  }
0xbb: {  	v10 =	vld.idx.msk [tilespmem:v9+s23+$0x0], $0xffff  }
0xbc: {  	v9 =	vor.u32 s2, v3  }
0xbd: {  	p1 =	por $0x1, $0x1;
	s2 =	simm.s32 $0x2;
	v13 =	vadd.s32 $0x1, v12  }
.LBB2_30:
0xbe: {  	p2 =	sne.s32 s2, $0x1FF;
	[tilespmem:v11+s24+$0x0] =	vst.idx.msk $0xffff, v13  }
0xbf: {  	[tilespmem:v12+s25+$0x0] =	vst.idx.msk $0xffff, v8  }
0xc0: {  	[tilespmem:v12+s26+$0x0] =	vst.idx.msk $0xffff, v10  }
0xc1: {  	v8 =	vld.idx.msk [tilespmem:v9+s20+$0x0], $0xffff  }
0xc2: {  	v10 =	vld.idx.msk [tilespmem:v9+s23+$0x0], $0xffff;
	_ =	sdelay $0x4  }
0xc3: {  	v9 =	vshll.u32 v8, $0x4  }
0xc4: {  	v9 =	vor.u32 v0, v9  }
0xc5: {  	v11 =	vand.u32 $0xFFF, v9;
	_ =	sdelay $0x4  }
0xc6: {  	v12 =	vld.idx.msk [tilespmem:v11+s24+$0x0], $0xffff;
	_ =	sdelay $0x1  }
.Ltmp16:
0xc7: {  	(pc) =	sbr.rel @p2 .LBB2_30-.Ltmp16, $3  }
0xc8: {  	_ =	sdelay $0x1  }
0xc9: {  	v9 =	vor.u32 s2, v3  }
0xca: {  	s2 =	sadd.s32 $0x1, s2;
	v13 =	vadd.s32 $0x1, v12  }
.LBB2_31:
0xcb: {  	_ =	sdelay $0x3  }
0xcc: {  	[tilespmem:v11+s24+$0x0] =	vst.idx.msk @p1 $0xffff, v13  }
0xcd: {  	[tilespmem:v12+s25+$0x0] =	vst.idx.msk @p1 $0xffff, v8  }
0xce: {  	[tilespmem:v12+s26+$0x0] =	vst.idx.msk @p1 $0xffff, v10  }
0xcf: {  	v8 =	vld.idx.msk [tilespmem:v9+s20+$0x0], $0xffff;
	_ =	sdelay $0x4  }
0xd0: {  	v61 =	vshll.u32 v8, $0x4  }
0xd1: {  	v10 =	vor.u32 v0, v61  }
0xd2: {  	v10 =	vand.u32 $0xFFF, v10;
	_ =	sdelay $0x4  }
0xd3: {  	v11 =	vld.idx.msk [tilespmem:v10+s24+$0x0], $0xffff;
	_ =	sdelay $0x3  }
0xd4: {  	p1 =	por $0x1, $0x1;
	v62 =	vld.idx.msk [tilespmem:v9+s23+$0x0], $0xffff  }
.Ltmp17:
0xd5: {  	_ = 	snop;
	(pc) =	sbr.rel @!p1 .LBB2_33-.Ltmp17, $4  }
0xd6: {  	v63 =	vadd.s32 $0x1, v11  }
0xd7: {  	[tilespmem:v10+s24+$0x0] =	vst.idx.msk $0xffff, v63  }
0xd8: {  	[tilespmem:v11+s25+$0x0] =	vst.idx.msk $0xffff, v8  }
0xd9: {  	s2 =	simm.s32 $0x40;
	s4 =	simm.s32 $0x0;
	[tilespmem:v11+s26+$0x0] =	vst.idx.msk $0xffff, v62  }
.LBB2_32:
0xda: {  	p1 =	sne.s32 s2, $0x3FC0;
	[tilespmem:s4+$0xA000] =	vst v2;
	s4 =	smov.u32 s2;
	s2 =	sadd.s32 $0x40, s2  }
.Ltmp18:
0xdb: {  	(pc) =	sbr.rel @p1 .LBB2_32-.Ltmp18, $2  }
0xdc: {  	_ =	sdelay $0x2  }
0xdd: {  	s4 =	sshra.s32 s4, $0x2  }
.LBB2_33:
0xde: {  	[tilespmem:s4+$0xA000] =	vst v2;
	s2 =	simm.s32 $0x0;
	s4 =	simm.s32 $0x0  }
.LBB2_34:
0xdf: {  	v8 =	vor.u32 s4, v3;
	_ =	sdelay $0x4  }
0xe0: {  	v8 =	vld.idx.msk [tilespmem:v8+s25+$0x0], $0xffff;
	_ =	sdelay $0x4  }
0xe1: {  	v8 =	vshrl.u32 v8, $0x4  }
0xe2: {  	v8 =	vand.u32 $0xFF0, v8  }
0xe3: {  	p1 =	sne.s32 s4, $0x1FF;
	v8 =	vor.u32 v0, v8  }
.Ltmp19:
0xe4: {  	_ = 	snop;
	(pc) =	sbr.rel @p1 .LBB2_34-.Ltmp19, $3  }
0xe5: {  	_ =	sdelay $0x1  }
0xe6: {  	s7 =	simm.s32 $0xA000  }
0xe7: {  	s4 =	sadd.s32 $0x1, s4;
	[tilespmem:v8+s7+$0x0] =	vst.idx.add.s32.msk $0xffff, v4  }
0xe8: {  	v8 =	vld [tilespmem:s7+$0x0];
	_ =	sdelay $0x4  }
0xe9: {  	(xrf0) =	vadd.scan.msk.s32 $0xffff, v8;
	_ =	sdelay $0x3  }
0xea: {  	v9 =	vmov s2;
	_ =	sdelay $0x1  }
0xeb: {  	v10, _, _ =	vpop (xrf0)  }
0xec: {  	s2 =	simm.s32 $0xB000;
	v8 =	vsub.s32 v10, v8;
	v10 =	vbroadcast v10, $0xF  }
0xed: {  	[tilespmem:s2+$0x0] =	vst v8  }
0xee: {  	s7 =	simm.s32 $0xA010;
	[tilespmem:v9+s21+$0x0] =	vst.idx.msk $0x1, v10  }
0xef: {  	s4 =	simm.s32 $0x1;
	s13 =	simm.s32 $0x2;
	v8 =	vld [tilespmem:s7+$0x0]  }
.LBB2_36:
0xf0: {  	p1 =	sne.s32 s13, $0xFF;
	_ =	sdelay $0x3  }
0xf1: {  	(xrf0) =	vadd.scan.msk.s32 $0xffff, v8;
	_ =	sdelay $0x3  }
0xf2: {  	v9 =	vmov s4;
	s4 =	smov.u32 s13;
	_ =	sdelay $0x1  }
.Ltmp20:
0xf3: {  	v10, _, _ =	vpop (xrf0);
	(pc) =	sbr.rel @p1 .LBB2_36-.Ltmp20, $4  }
0xf4: {  	s2 =	sadd.s32 $0x10, s2;
	v8 =	vsub.s32 v10, v8;
	v10 =	vbroadcast v10, $0xF  }
0xf5: {  	[tilespmem:s2+$0x0] =	vst v8  }
0xf6: {  	s7 =	sadd.s32 $0x10, s7;
	[tilespmem:v9+s21+$0x0] =	vst.idx.msk $0x1, v10  }
0xf7: {  	s13 =	sadd.s32 $0x1, s13;
	v8 =	vld [tilespmem:s7+$0x0]  }
0xf8: {  	_ =	sdelay $0x3  }
0xf9: {  	(xrf0) =	vadd.scan.msk.s32 $0xffff, v8;
	_ =	sdelay $0x3  }
0xfa: {  	v9 =	vmov s4  }
0xfb: {  	p4 =	por $0x1, $0x1  }
.Ltmp21:
0xfc: {  	v10, _, _ =	vpop (xrf0);
	(pc) =	sbr.rel @!p4 .LBB2_38-.Ltmp21, $4  }
0xfd: {  	s2 =	sadd.s32 $0x10, s2;
	v8 =	vsub.s32 v10, v8;
	v10 =	vbroadcast v10, $0xF  }
0xfe: {  	[tilespmem:s2+$0x0] =	vst v8  }
0xff: {  	s13 =	simm.s32 $0x0;
	s19 =	simm.s32 $0x0;
	[tilespmem:v9+s21+$0x0] =	vst.idx.msk $0x1, v10  }
0x100: {  	p2 =	por $0x0, $0x0;
	p3 =	por $0x0, $0x0;
	p1 =	por $0x0, $0x0;
	v10 =	vld [tilespmem:s19+$0xC000]  }
0x101: {  	s14 =	simm.s32 $0x10;
	p4 =	por $0x1, $0x1  }
.Ltmp22:
0x102: {  	v9 =	vld [tilespmem:s14+$0xC000];
	(pc) =	sbr.rel @!p4 .LBB2_40-.Ltmp22, $2  }
0x103: {  	_ =	sdelay $0x2  }
0x104: {  	p2 =	por $0x1, $0x1;
	(xrf0) =	vadd.scan.msk.s32 $0xffff, v10  }
0x105: {  	_ =	sdelay $0x4  }
0x106: {  	v11, _, _ =	vpop (xrf0)  }
0x107: {  	(v2sf) =	vpush v11, $0xF;
	_ =	sdelay $0x4  }
0x108: {  	s29 =	simm.s32 $0x20;
	p4 =	por $0x1, $0x1  }
.Ltmp23:
0x109: {  	v16 =	vld [tilespmem:s29+$0xC000];
	(pc) =	sbr.rel @!p4 .LBB2_42-.Ltmp23, $2  }
0x10a: {  	_ =	sdelay $0x2  }
0x10b: {  	p3 =	por $0x1, $0x1;
	(xrf0) =	vadd.scan.msk.s32 $0xffff, v9  }
0x10c: {  	_ =	sdelay $0x4  }
0x10d: {  	v12, _, _ =	vpop (xrf0)  }
0x10e: {  	(v2sf) =	vpush v12, $0xF;
	_ =	sdelay $0x3  }
0x10f: {  	s4 =	simm.s32 $0x30;
	p5 =	por $0x1, $0x1;
	(xrf0) =	vadd.scan.msk.s32 $0xffff, v16  }
.Ltmp24:
0x110: {  	v8 =	vld [tilespmem:s4+$0xC000];
	(pc) =	sbr.rel @!p5 .LBB2_44-.Ltmp24, $3  }
0x111: {  	_ =	sdelay $0x1  }
0x112: {  	s7 =	simm.s32 $0x100  }
0x113: {  	p4 =	por $0x1, $0x1;
	s30 =	simm.s32 $0x0;
	v13 =	vmov v10;
	v14 =	vmov v11;
	s2 =	simm.s32 $0x0  }
.LBB2_45:
0x114: {  	s5 =	sshra.s32 s7, $0x2;
	p5 =	sne.s32 s7, $0x3C0;
	s7 =	sadd.s32 $0x40, s7;
	(xrf0) =	vadd.scan.msk.s32 $0xffff, v8;
	v15, _, _ =	vpop (xrf0);
	v17 =	vsub.s32 s30, v13;
	v13 =	vmov v9;
	v9 =	vmov v16  }
.Ltmp25:
0x115: {  	v16 =	vmovc v8;
	(v2sf) =	vpush v15, $0xF;
	v17 =	vadd.s32 v14, v17;
	v14 =	vmovc v12;
	v12 =	vmov v15;
	v8 =	vld [tilespmem:s5+$0xC000];
	(pc) =	sbr.rel @p5 .LBB2_45-.Ltmp25, $4  }
0x116: {  	[tilespmem:s2+$0xC100] =	vst v17;
	s2 =	smov.u32 s14;
	s14 =	smov.u32 s29;
	s29 =	smov.u32 s4  }
0x117: {  	s4 =	smov.u32 s5  }
0x118: {  	s5 =	spop (v2sf)  }
0x119: {  	s30 =	sadd.s32 s30, s5  }
0x11a: {  	v15 =	vmov v9;
	s7 =	smov.u32 s14;
	v9 =	vmov v16;
	s14 =	smov.u32 s4  }
.LBB2_47:
0x11b: {  	v16, _, _ =	vpop @p2 (xrf0)  }
0x11c: {  	(xrf0) =	vadd.scan.msk.s32 $0xffff, v8;
	(v2sf) =	vpush @p2 v16, $0xF;
	_ =	sdelay $0x5  }
0x11d: {  	v17, _, _ =	vpop (xrf0)  }
0x11e: {  	(v2sf) =	vpush v17, $0xF;
	_ =	sdelay $0x2  }
0x11f: {  	s4 =	spop @p4 (v2sf)  }
0x120: {  	s5 =	simm.s32 $0x0;
	s4 =	sadd.s32 @p4 s30, s4  }
0x121: {  	v9 =	vpsel p2, v9, v10;
	v15 =	vpsel p3, v15, v0;
	s5 =	smov.u32 @p4 s4;
	s4 =	spop @p3 (v2sf)  }
0x122: {  	v10 =	vsub.s32 @p4 s30, v13;
	v12 =	vpsel p3, v12, v0;
	v13 =	vmovc @p2 v16;
	s30 =	simm.s32 $0x0;
	v15 =	vsub.s32 @p3 s5, v15;
	s4 =	sadd.s32 @p3 s5, s4;
	s5 =	smov.u32 @p2 s29  }
0x123: {  	v10 =	vadd.s32 @p4 v14, v10;
	v11 =	vpsel p2, v13, v11;
	v13 =	vpsel p2, v9, v0;
	s30 =	smov.u32 @p3 s4;
	s19 =	smov.u32 @p2 s5;
	s5 =	smov.u32 @p3 s7  }
0x124: {  	[tilespmem:s2+$0xC100] =	vst @p4 v10;
	v11 =	vpsel p2, v11, v0;
	v10 =	vadd.s32 @p3 v12, v15;
	s2 =	smov.u32 @p3 s5;
	s5 =	smov.u32 @p2 s19;
	v12 =	vsub.s32 @p2 s30, v13;
	s4 =	spop @p2 (v2sf)  }
0x125: {  	[tilespmem:s2+$0xC100] =	vst @p3 v10;
	s2 =	smov.u32 @p2 s5;
	v10 =	vadd.s32 @p2 v11, v12;
	s4 =	sadd.s32 @p2 s30, s4  }
0x126: {  	v9 =	vmov s13;
	[tilespmem:s2+$0xC100] =	vst @p2 v10;
	s13 =	smov.u32 @p2 s4;
	p2 =	por $0x1, $0x1  }
.Ltmp26:
0x127: {  	_ = 	snop;
	(pc) =	sbr.rel @!p2 .LBB2_48-.Ltmp26, $4  }
0x128: {  	_ = 	snop  }
0x129: {  	v8 =	vsub.s32 s13, v8  }
0x12a: {  	s2 =	simm.s32 $0xC200;
	v8 =	vadd.s32 v17, v8  }
0x12b: {  	s4 =	simm.s32 $0x1;
	s13 =	simm.s32 $0xB000;
	[tilespmem:s14+$0xC100] =	vst v8;
	s30 =	spop (v2sf)  }
0x12c: {  	p3 =	por $0x1, $0x1  }
.Ltmp27:
0x12d: {  	_ = 	snop;
	(pc) =	sbr.rel @!p3 .LBB2_50-.Ltmp27, $3  }
0x12e: {  	_ =	sdelay $0x1  }
0x12f: {  	v8 =	vld.idx.msk [tilespmem:v9+s22+$0x0], $0xffff  }
0x130: {  	v10 =	vld [tilespmem:s13+$0x0];
	v9 =	vmov s4;
	s7 =	simm.s32 $0x2;
	p2 =	por $0x1, $0x1  }
0x131: {  	_ =	sdelay $0x3  }
0x132: {  	p3 =	por $0x1, $0x1;
	v8 =	vadd.s32 v8, v10  }
.Ltmp28:
0x133: {  	[tilespmem:s2+$0x0] =	vst v8;
	(pc) =	sbr.rel @!p3 .LBB2_52-.Ltmp28, $3  }
0x134: {  	s4 =	simm.s32 $0xB010;
	v8 =	vld.idx.msk [tilespmem:v9+s22+$0x0], $0xffff  }
0x135: {  	v10 =	vld [tilespmem:s4+$0x0];
	_ =	sdelay $0x1  }
0x136: {  	s14 =	simm.s32 $0x3;
	p1 =	por $0x1, $0x1;
	v9 =	vmov s7;
	s7 =	simm.s32 $0xC200  }
.LBB2_53:
0x137: {  	p3 =	sne.s32 s14, $0xFF;
	_ =	sdelay $0x1  }
0x138: {  	s7 =	sadd.s32 $0x10, s7;
	v8 =	vadd.s32 v8, v10  }
.Ltmp29:
0x139: {  	[tilespmem:s7+$0x0] =	vst v8;
	(pc) =	sbr.rel @p3 .LBB2_53-.Ltmp29, $3  }
0x13a: {  	s4 =	sadd.s32 $0x10, s4;
	v8 =	vld.idx.msk [tilespmem:v9+s22+$0x0], $0xffff  }
0x13b: {  	v10 =	vld [tilespmem:s4+$0x0];
	_ =	sdelay $0x1  }
0x13c: {  	v9 =	vmov s14;
	s14 =	sadd.s32 $0x1, s14  }
.LBB2_54:
0x13d: {  	_ = 	snop  }
0x13e: {  	s5 =	sadd.s32 @p1 $0x10, s7;
	s7 =	simm.s32 $0xC200  }
0x13f: {  	s7 =	smov.u32 @p1 s5;
	v8 =	vadd.s32 @p2 v8, v10  }
0x140: {  	s4 =	sadd.s32 @p2 $0x10, s4;
	[tilespmem:s7+$0x0] =	vst @p2 v8  }
0x141: {  	s13 =	smov.u32 @p2 s4;
	v8 =	vld.idx.msk [tilespmem:v9+s22+$0x0], $0xffff  }
0x142: {  	s4 =	sadd.s32 @p2 $0x10, s7;
	v9 =	vld [tilespmem:s13+$0x0]  }
0x143: {  	s2 =	smov.u32 @p2 s4;
	p2 =	por $0x1, $0x1  }
.Ltmp30:
0x144: {  	_ = 	snop;
	(pc) =	sbr.rel @!p2 .LBB2_55-.Ltmp30, $3  }
0x145: {  	_ =	sdelay $0x1  }
0x146: {  	s30 =	simm.s32 $0x0;
	v8 =	vadd.s32 v8, v9  }
0x147: {  	p1 =	por $0x0, $0x0;
	v9 =	vor.u32 s30, v3;
	[tilespmem:s2+$0x0] =	vst v8;
	s2 =	simm.s32 $0x1  }
0x148: {  	_ =	sdelay $0x3  }
0x149: {  	v8 =	vld.idx.msk [tilespmem:v9+s25+$0x0], $0xffff;
	_ =	sdelay $0x4  }
0x14a: {  	v10 =	vshrl.u32 v8, $0x4  }
0x14b: {  	v10 =	vand.u32 $0xFF0, v10  }
0x14c: {  	v11 =	vor.u32 v0, v10;
	_ =	sdelay $0x4  }
0x14d: {  	v12 =	vld.idx.msk [tilespmem:v11+s24+$0x0], $0xffff  }
0x14e: {  	p2 =	por $0x1, $0x1  }
.Ltmp31:
0x14f: {  	_ = 	snop;
	(pc) =	sbr.rel @!p2 .LBB2_58-.Ltmp31, $4  }
0x150: {  	_ = 	snop  }
0x151: {  	v10 =	vld.idx.msk [tilespmem:v9+s26+$0x0], $0xffff  }
0x152: {  	v9 =	vor.u32 s2, v3  }
0x153: {  	p1 =	por $0x1, $0x1;
	s2 =	simm.s32 $0x2;
	v13 =	vadd.s32 $0x1, v12  }
.LBB2_57:
0x154: {  	p2 =	sne.s32 s2, $0x1FF;
	[tilespmem:v11+s24+$0x0] =	vst.idx.msk $0xffff, v13  }
0x155: {  	[tilespmem:v12+s20+$0x0] =	vst.idx.msk $0xffff, v8  }
0x156: {  	[tilespmem:v12+s23+$0x0] =	vst.idx.msk $0xffff, v10  }
0x157: {  	v8 =	vld.idx.msk [tilespmem:v9+s25+$0x0], $0xffff  }
0x158: {  	v10 =	vld.idx.msk [tilespmem:v9+s26+$0x0], $0xffff;
	_ =	sdelay $0x4  }
0x159: {  	v9 =	vshrl.u32 v8, $0x4  }
0x15a: {  	v9 =	vand.u32 $0xFF0, v9  }
0x15b: {  	v11 =	vor.u32 v0, v9;
	_ =	sdelay $0x4  }
0x15c: {  	v12 =	vld.idx.msk [tilespmem:v11+s24+$0x0], $0xffff;
	_ =	sdelay $0x1  }
.Ltmp32:
0x15d: {  	(pc) =	sbr.rel @p2 .LBB2_57-.Ltmp32, $3  }
0x15e: {  	_ =	sdelay $0x1  }
0x15f: {  	v9 =	vor.u32 s2, v3  }
0x160: {  	s2 =	sadd.s32 $0x1, s2;
	v13 =	vadd.s32 $0x1, v12  }
.LBB2_58:
0x161: {  	_ =	sdelay $0x3  }
0x162: {  	[tilespmem:v11+s24+$0x0] =	vst.idx.msk @p1 $0xffff, v13  }
0x163: {  	[tilespmem:v12+s20+$0x0] =	vst.idx.msk @p1 $0xffff, v8  }
0x164: {  	[tilespmem:v12+s23+$0x0] =	vst.idx.msk @p1 $0xffff, v10  }
0x165: {  	v8 =	vld.idx.msk [tilespmem:v9+s25+$0x0], $0xffff;
	_ =	sdelay $0x4  }
0x166: {  	v61 =	vshrl.u32 v8, $0x4  }
0x167: {  	v10 =	vand.u32 $0xFF0, v61  }
0x168: {  	v10 =	vor.u32 v0, v10;
	_ =	sdelay $0x4  }
0x169: {  	v11 =	vld.idx.msk [tilespmem:v10+s24+$0x0], $0xffff;
	_ =	sdelay $0x3  }
0x16a: {  	p1 =	por $0x1, $0x1;
	v62 =	vld.idx.msk [tilespmem:v9+s26+$0x0], $0xffff  }
.Ltmp33:
0x16b: {  	_ = 	snop;
	(pc) =	sbr.rel @!p1 .LBB2_60-.Ltmp33, $4  }
0x16c: {  	v63 =	vadd.s32 $0x1, v11  }
0x16d: {  	[tilespmem:v10+s24+$0x0] =	vst.idx.msk $0xffff, v63  }
0x16e: {  	[tilespmem:v11+s20+$0x0] =	vst.idx.msk $0xffff, v8  }
0x16f: {  	s2 =	simm.s32 $0x40;
	s4 =	simm.s32 $0x0;
	[tilespmem:v11+s23+$0x0] =	vst.idx.msk $0xffff, v62  }
.LBB2_59:
0x170: {  	p1 =	sne.s32 s2, $0x3FC0;
	[tilespmem:s4+$0xA000] =	vst v2;
	s4 =	smov.u32 s2;
	s2 =	sadd.s32 $0x40, s2  }
.Ltmp34:
0x171: {  	(pc) =	sbr.rel @p1 .LBB2_59-.Ltmp34, $2  }
0x172: {  	_ =	sdelay $0x2  }
0x173: {  	s4 =	sshra.s32 s4, $0x2  }
.LBB2_60:
0x174: {  	[tilespmem:s4+$0xA000] =	vst v2;
	s2 =	simm.s32 $0x0;
	s4 =	simm.s32 $0x0  }
.LBB2_61:
0x175: {  	v8 =	vor.u32 s4, v3;
	_ =	sdelay $0x4  }
0x176: {  	v8 =	vld.idx.msk [tilespmem:v8+s20+$0x0], $0xffff;
	_ =	sdelay $0x4  }
0x177: {  	v8 =	vshrl.u32 v8, $0xC  }
0x178: {  	v8 =	vand.u32 $0xFF0, v8  }
0x179: {  	p1 =	sne.s32 s4, $0x1FF;
	v8 =	vor.u32 v0, v8  }
.Ltmp35:
0x17a: {  	_ = 	snop;
	(pc) =	sbr.rel @p1 .LBB2_61-.Ltmp35, $3  }
0x17b: {  	_ =	sdelay $0x1  }
0x17c: {  	s7 =	simm.s32 $0xA000  }
0x17d: {  	s4 =	sadd.s32 $0x1, s4;
	[tilespmem:v8+s7+$0x0] =	vst.idx.add.s32.msk $0xffff, v4  }
0x17e: {  	v8 =	vld [tilespmem:s7+$0x0];
	_ =	sdelay $0x4  }
0x17f: {  	(xrf0) =	vadd.scan.msk.s32 $0xffff, v8;
	_ =	sdelay $0x3  }
0x180: {  	v9 =	vmov s2;
	_ =	sdelay $0x1  }
0x181: {  	v10, _, _ =	vpop (xrf0)  }
0x182: {  	s2 =	simm.s32 $0xB000;
	v8 =	vsub.s32 v10, v8;
	v10 =	vbroadcast v10, $0xF  }
0x183: {  	[tilespmem:s2+$0x0] =	vst v8  }
0x184: {  	s7 =	simm.s32 $0xA010;
	[tilespmem:v9+s21+$0x0] =	vst.idx.msk $0x1, v10  }
0x185: {  	s4 =	simm.s32 $0x1;
	s13 =	simm.s32 $0x2;
	v8 =	vld [tilespmem:s7+$0x0]  }
.LBB2_63:
0x186: {  	p1 =	sne.s32 s13, $0xFF;
	_ =	sdelay $0x3  }
0x187: {  	(xrf0) =	vadd.scan.msk.s32 $0xffff, v8;
	_ =	sdelay $0x3  }
0x188: {  	v9 =	vmov s4;
	s4 =	smov.u32 s13;
	_ =	sdelay $0x1  }
.Ltmp36:
0x189: {  	v10, _, _ =	vpop (xrf0);
	(pc) =	sbr.rel @p1 .LBB2_63-.Ltmp36, $4  }
0x18a: {  	s2 =	sadd.s32 $0x10, s2;
	v8 =	vsub.s32 v10, v8;
	v10 =	vbroadcast v10, $0xF  }
0x18b: {  	[tilespmem:s2+$0x0] =	vst v8  }
0x18c: {  	s7 =	sadd.s32 $0x10, s7;
	[tilespmem:v9+s21+$0x0] =	vst.idx.msk $0x1, v10  }
0x18d: {  	s13 =	sadd.s32 $0x1, s13;
	v8 =	vld [tilespmem:s7+$0x0]  }
0x18e: {  	_ =	sdelay $0x3  }
0x18f: {  	(xrf0) =	vadd.scan.msk.s32 $0xffff, v8;
	_ =	sdelay $0x3  }
0x190: {  	v9 =	vmov s4  }
0x191: {  	p4 =	por $0x1, $0x1  }
.Ltmp37:
0x192: {  	v10, _, _ =	vpop (xrf0);
	(pc) =	sbr.rel @!p4 .LBB2_65-.Ltmp37, $4  }
0x193: {  	s2 =	sadd.s32 $0x10, s2;
	v8 =	vsub.s32 v10, v8;
	v10 =	vbroadcast v10, $0xF  }
0x194: {  	[tilespmem:s2+$0x0] =	vst v8  }
0x195: {  	s13 =	simm.s32 $0x0;
	s19 =	simm.s32 $0x0;
	[tilespmem:v9+s21+$0x0] =	vst.idx.msk $0x1, v10  }
0x196: {  	p2 =	por $0x0, $0x0;
	p3 =	por $0x0, $0x0;
	p1 =	por $0x0, $0x0;
	v10 =	vld [tilespmem:s19+$0xC000]  }
0x197: {  	s14 =	simm.s32 $0x10;
	p4 =	por $0x1, $0x1  }
.Ltmp38:
0x198: {  	v9 =	vld [tilespmem:s14+$0xC000];
	(pc) =	sbr.rel @!p4 .LBB2_67-.Ltmp38, $2  }
0x199: {  	_ =	sdelay $0x2  }
0x19a: {  	p2 =	por $0x1, $0x1;
	(xrf0) =	vadd.scan.msk.s32 $0xffff, v10  }
0x19b: {  	_ =	sdelay $0x4  }
0x19c: {  	v11, _, _ =	vpop (xrf0)  }
0x19d: {  	(v2sf) =	vpush v11, $0xF;
	_ =	sdelay $0x4  }
0x19e: {  	s29 =	simm.s32 $0x20;
	p4 =	por $0x1, $0x1  }
.Ltmp39:
0x19f: {  	v16 =	vld [tilespmem:s29+$0xC000];
	(pc) =	sbr.rel @!p4 .LBB2_69-.Ltmp39, $2  }
0x1a0: {  	_ =	sdelay $0x2  }
0x1a1: {  	p3 =	por $0x1, $0x1;
	(xrf0) =	vadd.scan.msk.s32 $0xffff, v9  }
0x1a2: {  	_ =	sdelay $0x4  }
0x1a3: {  	v12, _, _ =	vpop (xrf0)  }
0x1a4: {  	(v2sf) =	vpush v12, $0xF;
	_ =	sdelay $0x3  }
0x1a5: {  	s4 =	simm.s32 $0x30;
	p5 =	por $0x1, $0x1;
	(xrf0) =	vadd.scan.msk.s32 $0xffff, v16  }
.Ltmp40:
0x1a6: {  	v8 =	vld [tilespmem:s4+$0xC000];
	(pc) =	sbr.rel @!p5 .LBB2_71-.Ltmp40, $3  }
0x1a7: {  	_ =	sdelay $0x1  }
0x1a8: {  	s7 =	simm.s32 $0x100  }
0x1a9: {  	p4 =	por $0x1, $0x1;
	s30 =	simm.s32 $0x0;
	v13 =	vmov v10;
	v14 =	vmov v11;
	s2 =	simm.s32 $0x0  }
.LBB2_72:
0x1aa: {  	s5 =	sshra.s32 s7, $0x2;
	p5 =	sne.s32 s7, $0x3C0;
	s7 =	sadd.s32 $0x40, s7;
	(xrf0) =	vadd.scan.msk.s32 $0xffff, v8;
	v15, _, _ =	vpop (xrf0);
	v17 =	vsub.s32 s30, v13;
	v13 =	vmov v9;
	v9 =	vmov v16  }
.Ltmp41:
0x1ab: {  	v16 =	vmovc v8;
	(v2sf) =	vpush v15, $0xF;
	v17 =	vadd.s32 v14, v17;
	v14 =	vmovc v12;
	v12 =	vmov v15;
	v8 =	vld [tilespmem:s5+$0xC000];
	(pc) =	sbr.rel @p5 .LBB2_72-.Ltmp41, $4  }
0x1ac: {  	[tilespmem:s2+$0xC100] =	vst v17;
	s2 =	smov.u32 s14;
	s14 =	smov.u32 s29;
	s29 =	smov.u32 s4  }
0x1ad: {  	s4 =	smov.u32 s5  }
0x1ae: {  	s5 =	spop (v2sf)  }
0x1af: {  	s30 =	sadd.s32 s30, s5  }
0x1b0: {  	v15 =	vmov v9;
	s7 =	smov.u32 s14;
	v9 =	vmov v16;
	s14 =	smov.u32 s4  }
.LBB2_74:
0x1b1: {  	v16, _, _ =	vpop @p2 (xrf0)  }
0x1b2: {  	(xrf0) =	vadd.scan.msk.s32 $0xffff, v8;
	(v2sf) =	vpush @p2 v16, $0xF;
	_ =	sdelay $0x5  }
0x1b3: {  	v17, _, _ =	vpop (xrf0)  }
0x1b4: {  	(v2sf) =	vpush v17, $0xF;
	_ =	sdelay $0x2  }
0x1b5: {  	s4 =	spop @p4 (v2sf)  }
0x1b6: {  	s5 =	simm.s32 $0x0;
	s4 =	sadd.s32 @p4 s30, s4  }
0x1b7: {  	v9 =	vpsel p2, v9, v10;
	v15 =	vpsel p3, v15, v0;
	s5 =	smov.u32 @p4 s4;
	s4 =	spop @p3 (v2sf)  }
0x1b8: {  	v10 =	vsub.s32 @p4 s30, v13;
	v12 =	vpsel p3, v12, v0;
	v13 =	vmovc @p2 v16;
	s30 =	simm.s32 $0x0;
	v15 =	vsub.s32 @p3 s5, v15;
	s4 =	sadd.s32 @p3 s5, s4;
	s5 =	smov.u32 @p2 s29  }
0x1b9: {  	v10 =	vadd.s32 @p4 v14, v10;
	v11 =	vpsel p2, v13, v11;
	v13 =	vpsel p2, v9, v0;
	s30 =	smov.u32 @p3 s4;
	s19 =	smov.u32 @p2 s5;
	s5 =	smov.u32 @p3 s7  }
0x1ba: {  	[tilespmem:s2+$0xC100] =	vst @p4 v10;
	v11 =	vpsel p2, v11, v0;
	v10 =	vadd.s32 @p3 v12, v15;
	s2 =	smov.u32 @p3 s5;
	s5 =	smov.u32 @p2 s19;
	v12 =	vsub.s32 @p2 s30, v13;
	s4 =	spop @p2 (v2sf)  }
0x1bb: {  	[tilespmem:s2+$0xC100] =	vst @p3 v10;
	s2 =	smov.u32 @p2 s5;
	v10 =	vadd.s32 @p2 v11, v12;
	s4 =	sadd.s32 @p2 s30, s4  }
0x1bc: {  	v9 =	vmov s13;
	[tilespmem:s2+$0xC100] =	vst @p2 v10;
	s13 =	smov.u32 @p2 s4;
	p2 =	por $0x1, $0x1  }
.Ltmp42:
0x1bd: {  	_ = 	snop;
	(pc) =	sbr.rel @!p2 .LBB2_75-.Ltmp42, $4  }
0x1be: {  	_ = 	snop  }
0x1bf: {  	v8 =	vsub.s32 s13, v8  }
0x1c0: {  	s2 =	simm.s32 $0xC200;
	v8 =	vadd.s32 v17, v8  }
0x1c1: {  	s4 =	simm.s32 $0x1;
	s13 =	simm.s32 $0xB000;
	[tilespmem:s14+$0xC100] =	vst v8;
	s30 =	spop (v2sf)  }
0x1c2: {  	p3 =	por $0x1, $0x1  }
.Ltmp43:
0x1c3: {  	_ = 	snop;
	(pc) =	sbr.rel @!p3 .LBB2_77-.Ltmp43, $3  }
0x1c4: {  	_ =	sdelay $0x1  }
0x1c5: {  	v8 =	vld.idx.msk [tilespmem:v9+s22+$0x0], $0xffff  }
0x1c6: {  	v10 =	vld [tilespmem:s13+$0x0];
	v9 =	vmov s4;
	s7 =	simm.s32 $0x2;
	p2 =	por $0x1, $0x1  }
0x1c7: {  	_ =	sdelay $0x3  }
0x1c8: {  	p3 =	por $0x1, $0x1;
	v8 =	vadd.s32 v8, v10  }
.Ltmp44:
0x1c9: {  	[tilespmem:s2+$0x0] =	vst v8;
	(pc) =	sbr.rel @!p3 .LBB2_79-.Ltmp44, $3  }
0x1ca: {  	s4 =	simm.s32 $0xB010;
	v8 =	vld.idx.msk [tilespmem:v9+s22+$0x0], $0xffff  }
0x1cb: {  	v10 =	vld [tilespmem:s4+$0x0];
	_ =	sdelay $0x1  }
0x1cc: {  	s14 =	simm.s32 $0x3;
	p1 =	por $0x1, $0x1;
	v9 =	vmov s7;
	s7 =	simm.s32 $0xC200  }
.LBB2_80:
0x1cd: {  	p3 =	sne.s32 s14, $0xFF;
	_ =	sdelay $0x1  }
0x1ce: {  	s7 =	sadd.s32 $0x10, s7;
	v8 =	vadd.s32 v8, v10  }
.Ltmp45:
0x1cf: {  	[tilespmem:s7+$0x0] =	vst v8;
	(pc) =	sbr.rel @p3 .LBB2_80-.Ltmp45, $3  }
0x1d0: {  	s4 =	sadd.s32 $0x10, s4;
	v8 =	vld.idx.msk [tilespmem:v9+s22+$0x0], $0xffff  }
0x1d1: {  	v10 =	vld [tilespmem:s4+$0x0];
	_ =	sdelay $0x1  }
0x1d2: {  	v9 =	vmov s14;
	s14 =	sadd.s32 $0x1, s14  }
.LBB2_81:
0x1d3: {  	_ = 	snop  }
0x1d4: {  	s5 =	sadd.s32 @p1 $0x10, s7;
	s7 =	simm.s32 $0xC200  }
0x1d5: {  	s7 =	smov.u32 @p1 s5;
	v8 =	vadd.s32 @p2 v8, v10  }
0x1d6: {  	s4 =	sadd.s32 @p2 $0x10, s4;
	[tilespmem:s7+$0x0] =	vst @p2 v8  }
0x1d7: {  	s13 =	smov.u32 @p2 s4;
	v8 =	vld.idx.msk [tilespmem:v9+s22+$0x0], $0xffff  }
0x1d8: {  	s4 =	sadd.s32 @p2 $0x10, s7;
	v9 =	vld [tilespmem:s13+$0x0]  }
0x1d9: {  	s2 =	smov.u32 @p2 s4;
	p2 =	por $0x1, $0x1  }
.Ltmp46:
0x1da: {  	_ = 	snop;
	(pc) =	sbr.rel @!p2 .LBB2_82-.Ltmp46, $3  }
0x1db: {  	_ =	sdelay $0x1  }
0x1dc: {  	s30 =	simm.s32 $0x0;
	v8 =	vadd.s32 v8, v9  }
0x1dd: {  	p1 =	por $0x0, $0x0;
	v9 =	vor.u32 s30, v3;
	[tilespmem:s2+$0x0] =	vst v8;
	s2 =	simm.s32 $0x1  }
0x1de: {  	_ =	sdelay $0x3  }
0x1df: {  	v8 =	vld.idx.msk [tilespmem:v9+s20+$0x0], $0xffff;
	_ =	sdelay $0x4  }
0x1e0: {  	v10 =	vshrl.u32 v8, $0xC  }
0x1e1: {  	v10 =	vand.u32 $0xFF0, v10  }
0x1e2: {  	v11 =	vor.u32 v0, v10;
	_ =	sdelay $0x4  }
0x1e3: {  	v12 =	vld.idx.msk [tilespmem:v11+s24+$0x0], $0xffff  }
0x1e4: {  	p2 =	por $0x1, $0x1  }
.Ltmp47:
0x1e5: {  	_ = 	snop;
	(pc) =	sbr.rel @!p2 .LBB2_85-.Ltmp47, $4  }
0x1e6: {  	_ = 	snop  }
0x1e7: {  	v10 =	vld.idx.msk [tilespmem:v9+s23+$0x0], $0xffff  }
0x1e8: {  	v9 =	vor.u32 s2, v3  }
0x1e9: {  	p1 =	por $0x1, $0x1;
	s2 =	simm.s32 $0x2;
	v13 =	vadd.s32 $0x1, v12  }
.LBB2_84:
0x1ea: {  	p2 =	sne.s32 s2, $0x1FF;
	[tilespmem:v11+s24+$0x0] =	vst.idx.msk $0xffff, v13  }
0x1eb: {  	[tilespmem:v12+s25+$0x0] =	vst.idx.msk $0xffff, v8  }
0x1ec: {  	[tilespmem:v12+s26+$0x0] =	vst.idx.msk $0xffff, v10  }
0x1ed: {  	v8 =	vld.idx.msk [tilespmem:v9+s20+$0x0], $0xffff  }
0x1ee: {  	v10 =	vld.idx.msk [tilespmem:v9+s23+$0x0], $0xffff;
	_ =	sdelay $0x4  }
0x1ef: {  	v9 =	vshrl.u32 v8, $0xC  }
0x1f0: {  	v9 =	vand.u32 $0xFF0, v9  }
0x1f1: {  	v11 =	vor.u32 v0, v9;
	_ =	sdelay $0x4  }
0x1f2: {  	v12 =	vld.idx.msk [tilespmem:v11+s24+$0x0], $0xffff;
	_ =	sdelay $0x1  }
.Ltmp48:
0x1f3: {  	(pc) =	sbr.rel @p2 .LBB2_84-.Ltmp48, $3  }
0x1f4: {  	_ =	sdelay $0x1  }
0x1f5: {  	v9 =	vor.u32 s2, v3  }
0x1f6: {  	s2 =	sadd.s32 $0x1, s2;
	v13 =	vadd.s32 $0x1, v12  }
.LBB2_85:
0x1f7: {  	_ =	sdelay $0x3  }
0x1f8: {  	[tilespmem:v11+s24+$0x0] =	vst.idx.msk @p1 $0xffff, v13  }
0x1f9: {  	[tilespmem:v12+s25+$0x0] =	vst.idx.msk @p1 $0xffff, v8  }
0x1fa: {  	[tilespmem:v12+s26+$0x0] =	vst.idx.msk @p1 $0xffff, v10  }
0x1fb: {  	v8 =	vld.idx.msk [tilespmem:v9+s20+$0x0], $0xffff;
	_ =	sdelay $0x4  }
0x1fc: {  	v61 =	vshrl.u32 v8, $0xC  }
0x1fd: {  	v10 =	vand.u32 $0xFF0, v61  }
0x1fe: {  	v10 =	vor.u32 v0, v10;
	_ =	sdelay $0x4  }
0x1ff: {  	v11 =	vld.idx.msk [tilespmem:v10+s24+$0x0], $0xffff;
	_ =	sdelay $0x3  }
0x200: {  	p1 =	por $0x1, $0x1;
	v62 =	vld.idx.msk [tilespmem:v9+s23+$0x0], $0xffff  }
.Ltmp49:
0x201: {  	_ = 	snop;
	(pc) =	sbr.rel @!p1 .LBB2_87-.Ltmp49, $4  }
0x202: {  	v63 =	vadd.s32 $0x1, v11  }
0x203: {  	[tilespmem:v10+s24+$0x0] =	vst.idx.msk $0xffff, v63  }
0x204: {  	[tilespmem:v11+s25+$0x0] =	vst.idx.msk $0xffff, v8  }
0x205: {  	s2 =	simm.s32 $0x40;
	s4 =	simm.s32 $0x0;
	[tilespmem:v11+s26+$0x0] =	vst.idx.msk $0xffff, v62  }
.LBB2_86:
0x206: {  	p1 =	sne.s32 s2, $0x3FC0;
	[tilespmem:s4+$0xA000] =	vst v2;
	s4 =	smov.u32 s2;
	s2 =	sadd.s32 $0x40, s2  }
.Ltmp50:
0x207: {  	(pc) =	sbr.rel @p1 .LBB2_86-.Ltmp50, $2  }
0x208: {  	_ =	sdelay $0x2  }
0x209: {  	s4 =	sshra.s32 s4, $0x2  }
.LBB2_87:
0x20a: {  	[tilespmem:s4+$0xA000] =	vst v2;
	s2 =	simm.s32 $0x0;
	s4 =	simm.s32 $0x0  }
.LBB2_88:
0x20b: {  	v8 =	vor.u32 s4, v3;
	_ =	sdelay $0x4  }
0x20c: {  	v8 =	vld.idx.msk [tilespmem:v8+s25+$0x0], $0xffff;
	_ =	sdelay $0x4  }
0x20d: {  	v8 =	vshrl.u32 v8, $0x14  }
0x20e: {  	v8 =	vand.u32 $0xFF0, v8  }
0x20f: {  	p1 =	sne.s32 s4, $0x1FF;
	v8 =	vor.u32 v0, v8  }
.Ltmp51:
0x210: {  	_ = 	snop;
	(pc) =	sbr.rel @p1 .LBB2_88-.Ltmp51, $3  }
0x211: {  	_ =	sdelay $0x1  }
0x212: {  	s7 =	simm.s32 $0xA000  }
0x213: {  	s4 =	sadd.s32 $0x1, s4;
	[tilespmem:v8+s7+$0x0] =	vst.idx.add.s32.msk $0xffff, v4  }
0x214: {  	v8 =	vld [tilespmem:s7+$0x0];
	_ =	sdelay $0x4  }
0x215: {  	(xrf0) =	vadd.scan.msk.s32 $0xffff, v8;
	_ =	sdelay $0x3  }
0x216: {  	v9 =	vmov s2;
	_ =	sdelay $0x1  }
0x217: {  	v10, _, _ =	vpop (xrf0)  }
0x218: {  	s2 =	simm.s32 $0xB000;
	v8 =	vsub.s32 v10, v8;
	v10 =	vbroadcast v10, $0xF  }
0x219: {  	[tilespmem:s2+$0x0] =	vst v8  }
0x21a: {  	s7 =	simm.s32 $0xA010;
	[tilespmem:v9+s21+$0x0] =	vst.idx.msk $0x1, v10  }
0x21b: {  	s4 =	simm.s32 $0x1;
	s13 =	simm.s32 $0x2;
	v8 =	vld [tilespmem:s7+$0x0]  }
.LBB2_90:
0x21c: {  	p1 =	sne.s32 s13, $0xFF;
	_ =	sdelay $0x3  }
0x21d: {  	(xrf0) =	vadd.scan.msk.s32 $0xffff, v8;
	_ =	sdelay $0x3  }
0x21e: {  	v9 =	vmov s4;
	s4 =	smov.u32 s13;
	_ =	sdelay $0x1  }
.Ltmp52:
0x21f: {  	v10, _, _ =	vpop (xrf0);
	(pc) =	sbr.rel @p1 .LBB2_90-.Ltmp52, $4  }
0x220: {  	s2 =	sadd.s32 $0x10, s2;
	v8 =	vsub.s32 v10, v8;
	v10 =	vbroadcast v10, $0xF  }
0x221: {  	[tilespmem:s2+$0x0] =	vst v8  }
0x222: {  	s7 =	sadd.s32 $0x10, s7;
	[tilespmem:v9+s21+$0x0] =	vst.idx.msk $0x1, v10  }
0x223: {  	s13 =	sadd.s32 $0x1, s13;
	v8 =	vld [tilespmem:s7+$0x0]  }
0x224: {  	_ =	sdelay $0x3  }
0x225: {  	(xrf0) =	vadd.scan.msk.s32 $0xffff, v8;
	_ =	sdelay $0x3  }
0x226: {  	v9 =	vmov s4  }
0x227: {  	p4 =	por $0x1, $0x1  }
.Ltmp53:
0x228: {  	v10, _, _ =	vpop (xrf0);
	(pc) =	sbr.rel @!p4 .LBB2_92-.Ltmp53, $4  }
0x229: {  	s2 =	sadd.s32 $0x10, s2;
	v8 =	vsub.s32 v10, v8;
	v10 =	vbroadcast v10, $0xF  }
0x22a: {  	[tilespmem:s2+$0x0] =	vst v8  }
0x22b: {  	s13 =	simm.s32 $0x0;
	s19 =	simm.s32 $0x0;
	[tilespmem:v9+s21+$0x0] =	vst.idx.msk $0x1, v10  }
0x22c: {  	p2 =	por $0x0, $0x0;
	p3 =	por $0x0, $0x0;
	p1 =	por $0x0, $0x0;
	v10 =	vld [tilespmem:s19+$0xC000]  }
0x22d: {  	s14 =	simm.s32 $0x10;
	p4 =	por $0x1, $0x1  }
.Ltmp54:
0x22e: {  	v9 =	vld [tilespmem:s14+$0xC000];
	(pc) =	sbr.rel @!p4 .LBB2_94-.Ltmp54, $2  }
0x22f: {  	_ =	sdelay $0x2  }
0x230: {  	p2 =	por $0x1, $0x1;
	(xrf0) =	vadd.scan.msk.s32 $0xffff, v10  }
0x231: {  	_ =	sdelay $0x4  }
0x232: {  	v11, _, _ =	vpop (xrf0)  }
0x233: {  	(v2sf) =	vpush v11, $0xF;
	_ =	sdelay $0x4  }
0x234: {  	s29 =	simm.s32 $0x20;
	p4 =	por $0x1, $0x1  }
.Ltmp55:
0x235: {  	v16 =	vld [tilespmem:s29+$0xC000];
	(pc) =	sbr.rel @!p4 .LBB2_96-.Ltmp55, $2  }
0x236: {  	_ =	sdelay $0x2  }
0x237: {  	p3 =	por $0x1, $0x1;
	(xrf0) =	vadd.scan.msk.s32 $0xffff, v9  }
0x238: {  	_ =	sdelay $0x4  }
0x239: {  	v12, _, _ =	vpop (xrf0)  }
0x23a: {  	(v2sf) =	vpush v12, $0xF;
	_ =	sdelay $0x3  }
0x23b: {  	s4 =	simm.s32 $0x30;
	p5 =	por $0x1, $0x1;
	(xrf0) =	vadd.scan.msk.s32 $0xffff, v16  }
.Ltmp56:
0x23c: {  	v8 =	vld [tilespmem:s4+$0xC000];
	(pc) =	sbr.rel @!p5 .LBB2_98-.Ltmp56, $3  }
0x23d: {  	_ =	sdelay $0x1  }
0x23e: {  	s7 =	simm.s32 $0x100  }
0x23f: {  	p4 =	por $0x1, $0x1;
	s30 =	simm.s32 $0x0;
	v13 =	vmov v10;
	v14 =	vmov v11;
	s2 =	simm.s32 $0x0  }
.LBB2_99:
0x240: {  	s5 =	sshra.s32 s7, $0x2;
	p5 =	sne.s32 s7, $0x3C0;
	s7 =	sadd.s32 $0x40, s7;
	(xrf0) =	vadd.scan.msk.s32 $0xffff, v8;
	v15, _, _ =	vpop (xrf0);
	v17 =	vsub.s32 s30, v13;
	v13 =	vmov v9;
	v9 =	vmov v16  }
.Ltmp57:
0x241: {  	v16 =	vmovc v8;
	(v2sf) =	vpush v15, $0xF;
	v17 =	vadd.s32 v14, v17;
	v14 =	vmovc v12;
	v12 =	vmov v15;
	v8 =	vld [tilespmem:s5+$0xC000];
	(pc) =	sbr.rel @p5 .LBB2_99-.Ltmp57, $4  }
0x242: {  	[tilespmem:s2+$0xC100] =	vst v17;
	s2 =	smov.u32 s14;
	s14 =	smov.u32 s29;
	s29 =	smov.u32 s4  }
0x243: {  	s4 =	smov.u32 s5  }
0x244: {  	s5 =	spop (v2sf)  }
0x245: {  	s30 =	sadd.s32 s30, s5  }
0x246: {  	v15 =	vmov v9;
	s7 =	smov.u32 s14;
	v9 =	vmov v16;
	s14 =	smov.u32 s4  }
.LBB2_101:
0x247: {  	v16, _, _ =	vpop @p2 (xrf0)  }
0x248: {  	(xrf0) =	vadd.scan.msk.s32 $0xffff, v8;
	(v2sf) =	vpush @p2 v16, $0xF;
	_ =	sdelay $0x5  }
0x249: {  	v17, _, _ =	vpop (xrf0)  }
0x24a: {  	(v2sf) =	vpush v17, $0xF;
	_ =	sdelay $0x2  }
0x24b: {  	s4 =	spop @p4 (v2sf)  }
0x24c: {  	s5 =	simm.s32 $0x0;
	s4 =	sadd.s32 @p4 s30, s4  }
0x24d: {  	v9 =	vpsel p2, v9, v10;
	v15 =	vpsel p3, v15, v0;
	s5 =	smov.u32 @p4 s4;
	s4 =	spop @p3 (v2sf)  }
0x24e: {  	v10 =	vsub.s32 @p4 s30, v13;
	v12 =	vpsel p3, v12, v0;
	v13 =	vmovc @p2 v16;
	s30 =	simm.s32 $0x0;
	v15 =	vsub.s32 @p3 s5, v15;
	s4 =	sadd.s32 @p3 s5, s4;
	s5 =	smov.u32 @p2 s29  }
0x24f: {  	v10 =	vadd.s32 @p4 v14, v10;
	v11 =	vpsel p2, v13, v11;
	v13 =	vpsel p2, v9, v0;
	s30 =	smov.u32 @p3 s4;
	s19 =	smov.u32 @p2 s5;
	s5 =	smov.u32 @p3 s7  }
0x250: {  	[tilespmem:s2+$0xC100] =	vst @p4 v10;
	v11 =	vpsel p2, v11, v0;
	v10 =	vadd.s32 @p3 v12, v15;
	s2 =	smov.u32 @p3 s5;
	s5 =	smov.u32 @p2 s19;
	v12 =	vsub.s32 @p2 s30, v13;
	s4 =	spop @p2 (v2sf)  }
0x251: {  	[tilespmem:s2+$0xC100] =	vst @p3 v10;
	s2 =	smov.u32 @p2 s5;
	v10 =	vadd.s32 @p2 v11, v12;
	s4 =	sadd.s32 @p2 s30, s4  }
0x252: {  	v9 =	vmov s13;
	[tilespmem:s2+$0xC100] =	vst @p2 v10;
	s13 =	smov.u32 @p2 s4;
	p2 =	por $0x1, $0x1  }
.Ltmp58:
0x253: {  	_ = 	snop;
	(pc) =	sbr.rel @!p2 .LBB2_102-.Ltmp58, $4  }
0x254: {  	_ = 	snop  }
0x255: {  	v8 =	vsub.s32 s13, v8  }
0x256: {  	s2 =	simm.s32 $0xC200;
	v8 =	vadd.s32 v17, v8  }
0x257: {  	s4 =	simm.s32 $0x1;
	s13 =	simm.s32 $0xB000;
	[tilespmem:s14+$0xC100] =	vst v8;
	s30 =	spop (v2sf)  }
0x258: {  	p3 =	por $0x1, $0x1  }
.Ltmp59:
0x259: {  	_ = 	snop;
	(pc) =	sbr.rel @!p3 .LBB2_104-.Ltmp59, $3  }
0x25a: {  	_ =	sdelay $0x1  }
0x25b: {  	v8 =	vld.idx.msk [tilespmem:v9+s22+$0x0], $0xffff  }
0x25c: {  	v10 =	vld [tilespmem:s13+$0x0];
	v9 =	vmov s4;
	s7 =	simm.s32 $0x2;
	p2 =	por $0x1, $0x1;
	s29 =	simm.s32 $0xFB00  }
0x25d: {  	_ =	sdelay $0x3  }
0x25e: {  	p3 =	por $0x1, $0x1;
	v8 =	vadd.s32 v8, v10  }
.Ltmp60:
0x25f: {  	[tilespmem:s2+$0x0] =	vst v8;
	(pc) =	sbr.rel @!p3 .LBB2_106-.Ltmp60, $3  }
0x260: {  	s4 =	simm.s32 $0xB010;
	v8 =	vld.idx.msk [tilespmem:v9+s22+$0x0], $0xffff  }
0x261: {  	v10 =	vld [tilespmem:s4+$0x0];
	_ =	sdelay $0x1  }
0x262: {  	s14 =	simm.s32 $0x3;
	p1 =	por $0x1, $0x1;
	v9 =	vmov s7;
	s7 =	simm.s32 $0xC200  }
.LBB2_107:
0x263: {  	p3 =	sne.s32 s14, $0xFF;
	_ =	sdelay $0x1  }
0x264: {  	s7 =	sadd.s32 $0x10, s7;
	v8 =	vadd.s32 v8, v10  }
.Ltmp61:
0x265: {  	[tilespmem:s7+$0x0] =	vst v8;
	(pc) =	sbr.rel @p3 .LBB2_107-.Ltmp61, $3  }
0x266: {  	s4 =	sadd.s32 $0x10, s4;
	v8 =	vld.idx.msk [tilespmem:v9+s22+$0x0], $0xffff  }
0x267: {  	v10 =	vld [tilespmem:s4+$0x0];
	_ =	sdelay $0x1  }
0x268: {  	v9 =	vmov s14;
	s14 =	sadd.s32 $0x1, s14  }
.LBB2_108:
0x269: {  	_ = 	snop  }
0x26a: {  	s5 =	sadd.s32 @p1 $0x10, s7;
	s7 =	simm.s32 $0xC200  }
0x26b: {  	s7 =	smov.u32 @p1 s5;
	v8 =	vadd.s32 @p2 v8, v10  }
0x26c: {  	s4 =	sadd.s32 @p2 $0x10, s4;
	[tilespmem:s7+$0x0] =	vst @p2 v8  }
0x26d: {  	s13 =	smov.u32 @p2 s4;
	v8 =	vld.idx.msk [tilespmem:v9+s22+$0x0], $0xffff  }
0x26e: {  	v9 =	vld [tilespmem:s13+$0x0]  }
0x26f: {  	s19 =	simm.s32 $0x0  }
0x270: {  	v10 =	vor.u32 s19, v3;
	_ =	sdelay $0x1  }
0x271: {  	s4 =	sadd.s32 @p2 $0x10, s7  }
0x272: {  	s2 =	smov.u32 @p2 s4;
	v8 =	vadd.s32 v8, v9  }
0x273: {  	[tilespmem:s2+$0x0] =	vst v8  }
0x274: {  	v8 =	vld.idx.msk [tilespmem:v10+s25+$0x0], $0xffff;
	_ =	sdelay $0x4  }
0x275: {  	v8 =	vshrl.u32 v8, $0x14  }
0x276: {  	v8 =	vand.u32 $0xFF0, v8  }
0x277: {  	v9 =	vor.u32 v0, v8;
	_ =	sdelay $0x3  }
0x278: {  	v10 =	vld.idx.msk [tilespmem:v10+s26+$0x0], $0xffff  }
0x279: {  	v11 =	vld.idx.msk [tilespmem:v9+s24+$0x0], $0xffff;
	_ =	sdelay $0x1  }
0x27a: {  	s30 =	simm.s32 $0x1  }
0x27b: {  	v8 =	vor.u32 s30, v3  }
0x27c: {  	s17 =	rddreg [dreg:$0xc];
	s2 =	simm.s32 $0x2  }
.LBB2_109:
0x27d: {  	p1 =	sne.s32 s2, $0x1FF;
	v12 =	vadd.s32 $0x1, v11  }
0x27e: {  	[tilespmem:v9+s24+$0x0] =	vst.idx.msk $0xffff, v12;
	v9 =	vadd.s32 v1, v11  }
0x27f: {  	[tilespmem:v10+s28+$0x0] =	vst.idx.msk $0xffff, v9  }
0x280: {  	v9 =	vld.idx.msk [tilespmem:v8+s25+$0x0], $0xffff;
	_ =	sdelay $0x5  }
0x281: {  	v9 =	vshrl.u32 v9, $0x14  }
0x282: {  	v9 =	vand.u32 $0xFF0, v9  }
0x283: {  	v9 =	vor.u32 v0, v9;
	_ =	sdelay $0x3  }
0x284: {  	v10 =	vld.idx.msk [tilespmem:v8+s26+$0x0], $0xffff  }
0x285: {  	v11 =	vld.idx.msk [tilespmem:v9+s24+$0x0], $0xffff  }
.Ltmp62:
0x286: {  	(pc) =	sbr.rel @p1 .LBB2_109-.Ltmp62, $3  }
0x287: {  	_ =	sdelay $0x1  }
0x288: {  	v8 =	vor.u32 s2, v3  }
0x289: {  	s2 =	sadd.s32 $0x1, s2  }
0x28a: {  	_ =	sdelay $0x2  }
0x28b: {  	v12 =	vadd.s32 $0x1, v11  }
0x28c: {  	v61 =	vadd.s32 v1, v11;
	[tilespmem:v9+s24+$0x0] =	vst.idx.msk $0xffff, v12  }
0x28d: {  	[tilespmem:v10+s28+$0x0] =	vst.idx.msk $0xffff, v61  }
0x28e: {  	v9 =	vld.idx.msk [tilespmem:v8+s25+$0x0], $0xffff;
	_ =	sdelay $0x4  }
0x28f: {  	v9 =	vshrl.u32 v9, $0x14  }
0x290: {  	v9 =	vand.u32 $0xFF0, v9  }
0x291: {  	v9 =	vor.u32 v0, v9;
	_ =	sdelay $0x3  }
0x292: {  	v8 =	vld.idx.msk [tilespmem:v8+s26+$0x0], $0xffff  }
0x293: {  	v10 =	vld.idx.msk [tilespmem:v9+s24+$0x0], $0xffff;
	_ =	sdelay $0x4  }
0x294: {  	v62 =	vadd.s32 $0x1, v10  }
0x295: {  	v63 =	vadd.s32 v1, v10;
	[tilespmem:v9+s24+$0x0] =	vst.idx.msk $0xffff, v62  }
0x296: {  	s2 =	rddreg [dreg:$0xa];
	s30 =	simm.s32 $0x7;
	[tilespmem:v8+s28+$0x0] =	vst.idx.msk $0xffff, v63  }
0x297: {  	[hbm4b:s2+s3] =	stream.linear.scatter [tilespmem:s28], [sflag:$0x7], $0x2000, $0x38;
	[tilespmem:$0x1F300] =	vst v63  }
0x298: {  	_ =	swait.ge [sflag:s30], $0x2000  }
0x299: {  	s5 =	simm.s32 $0xF200;
	[sflag:s30] =	ssyncset.done $0x0  }
0x29a: {  	s4 =	simm.s32 $0xF280;
	s6 =	rddreg [dreg:$0xe];
	[sflag:s30] =	ssyncadd.s32 $0xFFFFE000  }
.LBB2_111:
0x29b: {  	[dreg:$0xf] =	wrdreg s0;
	s13 =	simm.s32 $0x0  }
0x29c: {  	s2 =	smov.u32 s6;
	s30 =	simm.s32 $0x10B00;
	[bflag:$0x0] =	sbarrier.arrive $0xFFFF  }
0x29d: {  	s14 =	simm.s32 $0x11300;
	s7 =	simm.s32 $0x11B00;
	s19 =	rddreg [dreg:$0xb]  }
0x29e: {  	[tilespmem:s5], [sflag:$0x1] =	stream.linear.gather [hbm4b:s19+s13], $0x20, $0x38;
	[tilespmem:$0x1F300] =	vst v63  }
0x29f: {  	s8 =	simm.s32 $0x12300;
	s6 =	simm.s32 $0x2;
	s15 =	simm.s32 $0x6  }
0x2a0: {  	[tilespmem:s4], [sflag:$0x2] =	stream.linear.gather [hbm4b:s17+s13], $0x20, $0x38;
	[tilespmem:$0x1F300] =	vst v63  }
0x2a1: {  	s0 =	simm.s32 $0x1;
	s19 =	simm.s32 $0x10300;
	s17 =	simm.s32 $0x3  }
.LBB2_112:
0x2a2: {  	_ =	swait.ge [sflag:s0], $0x20  }
0x2a3: {  	[sflag:s0] =	ssyncset.done $0x0  }
0x2a4: {  	[sflag:s0] =	ssyncadd.s32 $0xFFFFFFE0  }
0x2a5: {  	_ =	swait.ge [sflag:s17], $0x8000  }
0x2a6: {  	[sflag:s17] =	ssyncset.done $0x0  }
0x2a7: {  	[sflag:s17] =	ssyncadd.s32 $0xFFFF8000  }
0x2a8: {  	v8 =	vld [tilespmem:$0xF200];
	_ =	sdelay $0x4  }
0x2a9: {  	v9 =	vshll.u32 v8, $0x3  }
0x2aa: {  	v8 =	vand.u32 $0x7, v8;
	v9 =	vand.u32 $0xFFFFFFC0, v9  }
0x2ab: {  	v8 =	vor.u32 v8, v9  }
0x2ac: {  	v9 =	vperm.xlane v8, v5;
	_ =	sdelay $0x1  }
0x2ad: {  	v9 =	vadd.s32 v6, v9;
	_ =	sdelay $0x4  }
0x2ae: {  	[hbm4b:s1+s3] =	stream.indirect_vreg.scatter [tilespmem:s16], [sflag:$0x5], $0x80, v9, vm0, $0xb8;
	[tilespmem:$0x1F300] =	vst v63  }
0x2af: {  	v8 =	vperm.xlane v8, v7  }
0x2b0: {  	[hbm4b:s10+s3] =	stream.indirect_vreg.scatter [tilespmem:s29], [sflag:$0x5], $0x80, v9, vm0, $0xb8;
	[tilespmem:$0x1F300] =	vst v63  }
0x2b1: {  	v8 =	vadd.s32 v6, v8  }
0x2b2: {  	[hbm4b:s11+s3] =	stream.indirect_vreg.scatter [tilespmem:s19], [sflag:$0x5], $0x80, v9, vm0, $0xb8;
	[tilespmem:$0x1F300] =	vst v63  }
0x2b3: {  	_ = 	snop  }
0x2b4: {  	[hbm4b:s12+s3] =	stream.indirect_vreg.scatter [tilespmem:s30], [sflag:$0x5], $0x80, v9, vm0, $0xb8;
	[tilespmem:$0x1F300] =	vst v63  }
0x2b5: {  	_ = 	snop  }
0x2b6: {  	[hbm4b:s1+s3] =	stream.indirect_vreg.scatter [tilespmem:s14], [sflag:$0x5], $0x80, v8, vm0, $0xb8;
	[tilespmem:$0x1F300] =	vst v63  }
0x2b7: {  	_ = 	snop  }
0x2b8: {  	[hbm4b:s10+s3] =	stream.indirect_vreg.scatter [tilespmem:s7], [sflag:$0x5], $0x80, v8, vm0, $0xb8;
	[tilespmem:$0x1F300] =	vst v63  }
0x2b9: {  	_ = 	snop  }
0x2ba: {  	[hbm4b:s11+s3] =	stream.indirect_vreg.scatter [tilespmem:s8], [sflag:$0x5], $0x80, v8, vm0, $0xb8;
	[tilespmem:$0x1F300] =	vst v63  }
0x2bb: {  	s4 =	simm.s32 $0x12B00  }
0x2bc: {  	[hbm4b:s12+s3] =	stream.indirect_vreg.scatter [tilespmem:s4], [sflag:$0x5], $0x80, v8, vm0, $0xb8;
	[tilespmem:$0x1F300] =	vst v63  }
0x2bd: {  	v8 =	vld [tilespmem:$0xF210];
	_ =	sdelay $0x4  }
0x2be: {  	v61 =	vshll.u32 v8, $0x3  }
0x2bf: {  	v8 =	vand.u32 $0x7, v8;
	v9 =	vand.u32 $0xFFFFFFC0, v61  }
0x2c0: {  	v8 =	vor.u32 v8, v9  }
0x2c1: {  	v9 =	vperm.xlane v8, v5;
	_ =	sdelay $0x1  }
0x2c2: {  	v9 =	vadd.s32 v6, v9;
	_ =	sdelay $0x3  }
0x2c3: {  	s5 =	simm.s32 $0x13300  }
0x2c4: {  	[hbm4b:s1+s3] =	stream.indirect_vreg.scatter [tilespmem:s5], [sflag:$0x5], $0x80, v9, vm0, $0xb8;
	[tilespmem:$0x1F300] =	vst v63  }
0x2c5: {  	v8 =	vperm.xlane v8, v7;
	s5 =	simm.s32 $0x13B00  }
0x2c6: {  	[hbm4b:s10+s3] =	stream.indirect_vreg.scatter [tilespmem:s5], [sflag:$0x5], $0x80, v9, vm0, $0xb8;
	[tilespmem:$0x1F300] =	vst v63  }
0x2c7: {  	v8 =	vadd.s32 v6, v8;
	s5 =	simm.s32 $0x14300  }
0x2c8: {  	[hbm4b:s11+s3] =	stream.indirect_vreg.scatter [tilespmem:s5], [sflag:$0x5], $0x80, v9, vm0, $0xb8;
	[tilespmem:$0x1F300] =	vst v63  }
0x2c9: {  	s5 =	simm.s32 $0x14B00  }
0x2ca: {  	[hbm4b:s12+s3] =	stream.indirect_vreg.scatter [tilespmem:s5], [sflag:$0x5], $0x80, v9, vm0, $0xb8;
	[tilespmem:$0x1F300] =	vst v63  }
0x2cb: {  	s5 =	simm.s32 $0x15300  }
0x2cc: {  	[hbm4b:s1+s3] =	stream.indirect_vreg.scatter [tilespmem:s5], [sflag:$0x5], $0x80, v8, vm0, $0xb8;
	[tilespmem:$0x1F300] =	vst v63  }
0x2cd: {  	s5 =	simm.s32 $0x15B00  }
0x2ce: {  	[hbm4b:s10+s3] =	stream.indirect_vreg.scatter [tilespmem:s5], [sflag:$0x5], $0x80, v8, vm0, $0xb8;
	[tilespmem:$0x1F300] =	vst v63  }
0x2cf: {  	s5 =	simm.s32 $0x16300  }
0x2d0: {  	[hbm4b:s11+s3] =	stream.indirect_vreg.scatter [tilespmem:s5], [sflag:$0x5], $0x80, v8, vm0, $0xb8;
	[tilespmem:$0x1F300] =	vst v63  }
0x2d1: {  	s5 =	simm.s32 $0x16B00  }
0x2d2: {  	[hbm4b:s12+s3] =	stream.indirect_vreg.scatter [tilespmem:s5], [sflag:$0x5], $0x80, v8, vm0, $0xb8;
	[tilespmem:$0x1F300] =	vst v63  }
0x2d3: {  	_ =	swait.ge [sflag:s9], $0x8000  }
0x2d4: {  	[sflag:s9] =	ssyncset.done $0x0  }
0x2d5: {  	s5 =	sadd.s32 $0xFFFFF000, s2;
	s4 =	rddreg [dreg:$0x6];
	[sflag:s9] =	ssyncadd.s32 $0xFFFF8000  }
0x2d6: {  	[tilespmem:s16], [sflag:$0x3] =	stream.linear.gather [hbm4b:s5+s3], $0x8000, $0x38;
	[tilespmem:$0x1F300] =	vst v63  }
0x2d7: {  	s4 =	sadd.s32 s13, s4;
	s5 =	simm.s32 $0xF200  }
0x2d8: {  	[tilespmem:s5], [sflag:$0x1] =	stream.linear.gather [hbm4b:s4+s3], $0x20, $0x38;
	[tilespmem:$0x1F300] =	vst v63  }
0x2d9: {  	_ =	swait.ge [sflag:s6], $0x20  }
0x2da: {  	[sflag:s6] =	ssyncset.done $0x0  }
0x2db: {  	[sflag:s6] =	ssyncadd.s32 $0xFFFFFFE0  }
0x2dc: {  	_ =	swait.ge [sflag:s18], $0x8000  }
0x2dd: {  	[sflag:s18] =	ssyncset.done $0x0  }
0x2de: {  	[sflag:s18] =	ssyncadd.s32 $0xFFFF8000  }
0x2df: {  	v8 =	vld [tilespmem:$0xF280];
	_ =	sdelay $0x4  }
0x2e0: {  	v62 =	vshll.u32 v8, $0x3  }
0x2e1: {  	v8 =	vand.u32 $0x7, v8;
	v9 =	vand.u32 $0xFFFFFFC0, v62  }
0x2e2: {  	v8 =	vor.u32 v8, v9  }
0x2e3: {  	v9 =	vperm.xlane v8, v5;
	_ =	sdelay $0x1  }
0x2e4: {  	v9 =	vadd.s32 v6, v9;
	_ =	sdelay $0x4  }
0x2e5: {  	[hbm4b:s1+s3] =	stream.indirect_vreg.scatter [tilespmem:s31], [sflag:$0x6], $0x80, v9, vm0, $0xb8;
	[tilespmem:$0x1F300] =	vst v63  }
0x2e6: {  	s4 =	simm.s32 $0x17B00;
	v8 =	vperm.xlane v8, v7  }
0x2e7: {  	[hbm4b:s10+s3] =	stream.indirect_vreg.scatter [tilespmem:s4], [sflag:$0x6], $0x80, v9, vm0, $0xb8;
	[tilespmem:$0x1F300] =	vst v63  }
0x2e8: {  	v8 =	vadd.s32 v6, v8;
	s4 =	simm.s32 $0x18300  }
0x2e9: {  	[hbm4b:s11+s3] =	stream.indirect_vreg.scatter [tilespmem:s4], [sflag:$0x6], $0x80, v9, vm0, $0xb8;
	[tilespmem:$0x1F300] =	vst v63  }
0x2ea: {  	s4 =	simm.s32 $0x18B00  }
0x2eb: {  	[hbm4b:s12+s3] =	stream.indirect_vreg.scatter [tilespmem:s4], [sflag:$0x6], $0x80, v9, vm0, $0xb8;
	[tilespmem:$0x1F300] =	vst v63  }
0x2ec: {  	s4 =	simm.s32 $0x19300  }
0x2ed: {  	[hbm4b:s1+s3] =	stream.indirect_vreg.scatter [tilespmem:s4], [sflag:$0x6], $0x80, v8, vm0, $0xb8;
	[tilespmem:$0x1F300] =	vst v63  }
0x2ee: {  	s4 =	simm.s32 $0x19B00  }
0x2ef: {  	[hbm4b:s10+s3] =	stream.indirect_vreg.scatter [tilespmem:s4], [sflag:$0x6], $0x80, v8, vm0, $0xb8;
	[tilespmem:$0x1F300] =	vst v63  }
0x2f0: {  	s4 =	simm.s32 $0x1A300  }
0x2f1: {  	[hbm4b:s11+s3] =	stream.indirect_vreg.scatter [tilespmem:s4], [sflag:$0x6], $0x80, v8, vm0, $0xb8;
	[tilespmem:$0x1F300] =	vst v63  }
0x2f2: {  	s4 =	simm.s32 $0x1AB00  }
0x2f3: {  	[hbm4b:s12+s3] =	stream.indirect_vreg.scatter [tilespmem:s4], [sflag:$0x6], $0x80, v8, vm0, $0xb8;
	[tilespmem:$0x1F300] =	vst v63  }
0x2f4: {  	v8 =	vld [tilespmem:$0xF290];
	_ =	sdelay $0x4  }
0x2f5: {  	v63 =	vshll.u32 v8, $0x3  }
0x2f6: {  	v8 =	vand.u32 $0x7, v8;
	v9 =	vand.u32 $0xFFFFFFC0, v63  }
0x2f7: {  	v8 =	vor.u32 v8, v9  }
0x2f8: {  	v9 =	vperm.xlane v8, v5;
	_ =	sdelay $0x1  }
0x2f9: {  	v9 =	vadd.s32 v6, v9;
	_ =	sdelay $0x3  }
0x2fa: {  	s4 =	simm.s32 $0x1B300  }
0x2fb: {  	[hbm4b:s1+s3] =	stream.indirect_vreg.scatter [tilespmem:s4], [sflag:$0x6], $0x80, v9, vm0, $0xb8;
	[tilespmem:$0x1F300] =	vst v63  }
0x2fc: {  	v8 =	vperm.xlane v8, v7;
	s4 =	simm.s32 $0x1BB00  }
0x2fd: {  	[hbm4b:s10+s3] =	stream.indirect_vreg.scatter [tilespmem:s4], [sflag:$0x6], $0x80, v9, vm0, $0xb8;
	[tilespmem:$0x1F300] =	vst v63  }
0x2fe: {  	v8 =	vadd.s32 v6, v8;
	s4 =	simm.s32 $0x1C300  }
0x2ff: {  	[hbm4b:s11+s3] =	stream.indirect_vreg.scatter [tilespmem:s4], [sflag:$0x6], $0x80, v9, vm0, $0xb8;
	[tilespmem:$0x1F300] =	vst v63  }
0x300: {  	s4 =	simm.s32 $0x1CB00  }
0x301: {  	[hbm4b:s12+s3] =	stream.indirect_vreg.scatter [tilespmem:s4], [sflag:$0x6], $0x80, v9, vm0, $0xb8;
	[tilespmem:$0x1F300] =	vst v63  }
0x302: {  	s4 =	simm.s32 $0x1D300  }
0x303: {  	[hbm4b:s1+s3] =	stream.indirect_vreg.scatter [tilespmem:s4], [sflag:$0x6], $0x80, v8, vm0, $0xb8;
	[tilespmem:$0x1F300] =	vst v63  }
0x304: {  	s4 =	simm.s32 $0x1DB00  }
0x305: {  	[hbm4b:s10+s3] =	stream.indirect_vreg.scatter [tilespmem:s4], [sflag:$0x6], $0x80, v8, vm0, $0xb8;
	[tilespmem:$0x1F300] =	vst v63  }
0x306: {  	s4 =	simm.s32 $0x1E300  }
0x307: {  	[hbm4b:s11+s3] =	stream.indirect_vreg.scatter [tilespmem:s4], [sflag:$0x6], $0x80, v8, vm0, $0xb8;
	[tilespmem:$0x1F300] =	vst v63  }
0x308: {  	s4 =	simm.s32 $0x1EB00  }
0x309: {  	[hbm4b:s12+s3] =	stream.indirect_vreg.scatter [tilespmem:s4], [sflag:$0x6], $0x80, v8, vm0, $0xb8;
	[tilespmem:$0x1F300] =	vst v63  }
0x30a: {  	_ =	swait.ge [sflag:s15], $0x8000  }
0x30b: {  	p1 =	sne.s32 s13, $0x70;
	[sflag:s15] =	ssyncset.done $0x0  }
.Ltmp63:
0x30c: {  	s4 =	rddreg [dreg:$0x5];
	[sflag:s15] =	ssyncadd.s32 $0xFFFF8000;
	(pc) =	sbr.rel @p1 .LBB2_112-.Ltmp63, $4  }
0x30d: {  	[tilespmem:s31], [sflag:$0x4] =	stream.linear.gather [hbm4b:s2+s3], $0x8000, $0x38;
	[tilespmem:$0x1F300] =	vst v63  }
0x30e: {  	s29 =	simm.s32 $0xF280;
	s4 =	sadd.s32 s13, s4;
	s13 =	sadd.s32 $0x8, s13  }
0x30f: {  	[tilespmem:s29], [sflag:$0x2] =	stream.linear.gather [hbm4b:s4+s3], $0x20, $0x38;
	[tilespmem:$0x1F300] =	vst v63  }
0x310: {  	s2 =	sadd.s32 $0x2000, s2;
	s29 =	simm.s32 $0xFB00;
	s4 =	simm.s32 $0xF280  }
0x311: {  	_ =	swait.ge [sflag:s0], $0x20  }
0x312: {  	[sflag:s0] =	ssyncset.done $0x0  }
0x313: {  	[sflag:s0] =	ssyncadd.s32 $0xFFFFFFE0  }
0x314: {  	_ =	swait.ge [sflag:s17], $0x8000  }
0x315: {  	[sflag:s17] =	ssyncset.done $0x0  }
0x316: {  	[sflag:s17] =	ssyncadd.s32 $0xFFFF8000  }
0x317: {  	v8 =	vld [tilespmem:$0xF200];
	_ =	sdelay $0x4  }
0x318: {  	v9 =	vshll.u32 v8, $0x3  }
0x319: {  	v8 =	vand.u32 $0x7, v8;
	v9 =	vand.u32 $0xFFFFFFC0, v9  }
0x31a: {  	v8 =	vor.u32 v8, v9  }
0x31b: {  	v9 =	vperm.xlane v8, v5;
	_ =	sdelay $0x1  }
0x31c: {  	v9 =	vadd.s32 v6, v9;
	_ =	sdelay $0x4  }
0x31d: {  	[hbm4b:s1+s3] =	stream.indirect_vreg.scatter [tilespmem:s16], [sflag:$0x5], $0x80, v9, vm0, $0xb8;
	[tilespmem:$0x1F300] =	vst v63  }
0x31e: {  	v8 =	vperm.xlane v8, v7  }
0x31f: {  	[hbm4b:s10+s3] =	stream.indirect_vreg.scatter [tilespmem:s29], [sflag:$0x5], $0x80, v9, vm0, $0xb8;
	[tilespmem:$0x1F300] =	vst v63  }
0x320: {  	v8 =	vadd.s32 v6, v8  }
0x321: {  	[hbm4b:s11+s3] =	stream.indirect_vreg.scatter [tilespmem:s19], [sflag:$0x5], $0x80, v9, vm0, $0xb8;
	[tilespmem:$0x1F300] =	vst v63  }
0x322: {  	_ = 	snop  }
0x323: {  	[hbm4b:s12+s3] =	stream.indirect_vreg.scatter [tilespmem:s30], [sflag:$0x5], $0x80, v9, vm0, $0xb8;
	[tilespmem:$0x1F300] =	vst v63  }
0x324: {  	_ = 	snop  }
0x325: {  	[hbm4b:s1+s3] =	stream.indirect_vreg.scatter [tilespmem:s14], [sflag:$0x5], $0x80, v8, vm0, $0xb8;
	[tilespmem:$0x1F300] =	vst v63  }
0x326: {  	_ = 	snop  }
0x327: {  	[hbm4b:s10+s3] =	stream.indirect_vreg.scatter [tilespmem:s7], [sflag:$0x5], $0x80, v8, vm0, $0xb8;
	[tilespmem:$0x1F300] =	vst v63  }
0x328: {  	_ = 	snop  }
0x329: {  	[hbm4b:s11+s3] =	stream.indirect_vreg.scatter [tilespmem:s8], [sflag:$0x5], $0x80, v8, vm0, $0xb8;
	[tilespmem:$0x1F300] =	vst v63  }
0x32a: {  	s2 =	simm.s32 $0x12B00  }
0x32b: {  	[hbm4b:s12+s3] =	stream.indirect_vreg.scatter [tilespmem:s2], [sflag:$0x5], $0x80, v8, vm0, $0xb8;
	[tilespmem:$0x1F300] =	vst v63  }
0x32c: {  	v8 =	vld [tilespmem:$0xF210];
	_ =	sdelay $0x4  }
0x32d: {  	v61 =	vshll.u32 v8, $0x3  }
0x32e: {  	v8 =	vand.u32 $0x7, v8;
	v9 =	vand.u32 $0xFFFFFFC0, v61  }
0x32f: {  	v8 =	vor.u32 v8, v9  }
0x330: {  	v9 =	vperm.xlane v8, v5;
	_ =	sdelay $0x1  }
0x331: {  	v9 =	vadd.s32 v6, v9;
	_ =	sdelay $0x3  }
0x332: {  	s7 =	simm.s32 $0x13300  }
0x333: {  	[hbm4b:s1+s3] =	stream.indirect_vreg.scatter [tilespmem:s7], [sflag:$0x5], $0x80, v9, vm0, $0xb8;
	[tilespmem:$0x1F300] =	vst v63  }
0x334: {  	s8 =	simm.s32 $0x13B00;
	v8 =	vperm.xlane v8, v7  }
0x335: {  	[hbm4b:s10+s3] =	stream.indirect_vreg.scatter [tilespmem:s8], [sflag:$0x5], $0x80, v9, vm0, $0xb8;
	[tilespmem:$0x1F300] =	vst v63  }
0x336: {  	s13 =	simm.s32 $0x14300;
	v8 =	vadd.s32 v6, v8  }
0x337: {  	[hbm4b:s11+s3] =	stream.indirect_vreg.scatter [tilespmem:s13], [sflag:$0x5], $0x80, v9, vm0, $0xb8;
	[tilespmem:$0x1F300] =	vst v63  }
0x338: {  	s14 =	simm.s32 $0x14B00  }
0x339: {  	[hbm4b:s12+s3] =	stream.indirect_vreg.scatter [tilespmem:s14], [sflag:$0x5], $0x80, v9, vm0, $0xb8;
	[tilespmem:$0x1F300] =	vst v63  }
0x33a: {  	s17 =	simm.s32 $0x15300  }
0x33b: {  	[hbm4b:s1+s3] =	stream.indirect_vreg.scatter [tilespmem:s17], [sflag:$0x5], $0x80, v8, vm0, $0xb8;
	[tilespmem:$0x1F300] =	vst v63  }
0x33c: {  	s19 =	simm.s32 $0x15B00  }
0x33d: {  	[hbm4b:s10+s3] =	stream.indirect_vreg.scatter [tilespmem:s19], [sflag:$0x5], $0x80, v8, vm0, $0xb8;
	[tilespmem:$0x1F300] =	vst v63  }
0x33e: {  	s30 =	simm.s32 $0x16300  }
0x33f: {  	[hbm4b:s11+s3] =	stream.indirect_vreg.scatter [tilespmem:s30], [sflag:$0x5], $0x80, v8, vm0, $0xb8;
	[tilespmem:$0x1F300] =	vst v63  }
0x340: {  	s2 =	simm.s32 $0x16B00  }
0x341: {  	[hbm4b:s12+s3] =	stream.indirect_vreg.scatter [tilespmem:s2], [sflag:$0x5], $0x80, v8, vm0, $0xb8;
	[tilespmem:$0x1F300] =	vst v63  }
0x342: {  	_ =	swait.ge [sflag:s9], $0x8000  }
0x343: {  	[sflag:s9] =	ssyncset.done $0x0  }
0x344: {  	[sflag:s9] =	ssyncadd.s32 $0xFFFF8000  }
0x345: {  	_ =	swait.ge [sflag:s6], $0x20  }
0x346: {  	[sflag:s6] =	ssyncset.done $0x0  }
0x347: {  	[sflag:s6] =	ssyncadd.s32 $0xFFFFFFE0  }
0x348: {  	_ =	swait.ge [sflag:s18], $0x8000  }
0x349: {  	[sflag:s18] =	ssyncset.done $0x0  }
0x34a: {  	[sflag:s18] =	ssyncadd.s32 $0xFFFF8000  }
0x34b: {  	v8 =	vld [tilespmem:$0xF280];
	_ =	sdelay $0x4  }
0x34c: {  	v62 =	vshll.u32 v8, $0x3  }
0x34d: {  	v8 =	vand.u32 $0x7, v8;
	v9 =	vand.u32 $0xFFFFFFC0, v62  }
0x34e: {  	v8 =	vor.u32 v8, v9  }
0x34f: {  	v9 =	vperm.xlane v8, v5;
	_ =	sdelay $0x1  }
0x350: {  	v9 =	vadd.s32 v6, v9;
	_ =	sdelay $0x4  }
0x351: {  	[hbm4b:s1+s3] =	stream.indirect_vreg.scatter [tilespmem:s31], [sflag:$0x6], $0x80, v9, vm0, $0xb8;
	[tilespmem:$0x1F300] =	vst v63  }
0x352: {  	s7 =	simm.s32 $0x17B00;
	v8 =	vperm.xlane v8, v7  }
0x353: {  	[hbm4b:s10+s3] =	stream.indirect_vreg.scatter [tilespmem:s7], [sflag:$0x6], $0x80, v9, vm0, $0xb8;
	[tilespmem:$0x1F300] =	vst v63  }
0x354: {  	s8 =	simm.s32 $0x18300;
	v8 =	vadd.s32 v6, v8  }
0x355: {  	[hbm4b:s11+s3] =	stream.indirect_vreg.scatter [tilespmem:s8], [sflag:$0x6], $0x80, v9, vm0, $0xb8;
	[tilespmem:$0x1F300] =	vst v63  }
0x356: {  	s13 =	simm.s32 $0x18B00  }
0x357: {  	[hbm4b:s12+s3] =	stream.indirect_vreg.scatter [tilespmem:s13], [sflag:$0x6], $0x80, v9, vm0, $0xb8;
	[tilespmem:$0x1F300] =	vst v63  }
0x358: {  	s14 =	simm.s32 $0x19300  }
0x359: {  	[hbm4b:s1+s3] =	stream.indirect_vreg.scatter [tilespmem:s14], [sflag:$0x6], $0x80, v8, vm0, $0xb8;
	[tilespmem:$0x1F300] =	vst v63  }
0x35a: {  	s17 =	simm.s32 $0x19B00  }
0x35b: {  	[hbm4b:s10+s3] =	stream.indirect_vreg.scatter [tilespmem:s17], [sflag:$0x6], $0x80, v8, vm0, $0xb8;
	[tilespmem:$0x1F300] =	vst v63  }
0x35c: {  	s19 =	simm.s32 $0x1A300  }
0x35d: {  	[hbm4b:s11+s3] =	stream.indirect_vreg.scatter [tilespmem:s19], [sflag:$0x6], $0x80, v8, vm0, $0xb8;
	[tilespmem:$0x1F300] =	vst v63  }
0x35e: {  	s30 =	simm.s32 $0x1AB00  }
0x35f: {  	[hbm4b:s12+s3] =	stream.indirect_vreg.scatter [tilespmem:s30], [sflag:$0x6], $0x80, v8, vm0, $0xb8;
	[tilespmem:$0x1F300] =	vst v63  }
0x360: {  	v8 =	vld [tilespmem:$0xF290];
	_ =	sdelay $0x4  }
0x361: {  	v63 =	vshll.u32 v8, $0x3  }
0x362: {  	v8 =	vand.u32 $0x7, v8;
	v9 =	vand.u32 $0xFFFFFFC0, v63  }
0x363: {  	v8 =	vor.u32 v8, v9  }
0x364: {  	v9 =	vperm.xlane v8, v5;
	_ =	sdelay $0x1  }
0x365: {  	v9 =	vadd.s32 v6, v9;
	_ =	sdelay $0x3  }
0x366: {  	s2 =	simm.s32 $0x1B300  }
0x367: {  	[hbm4b:s1+s3] =	stream.indirect_vreg.scatter [tilespmem:s2], [sflag:$0x6], $0x80, v9, vm0, $0xb8;
	[tilespmem:$0x1F300] =	vst v63  }
0x368: {  	s6 =	simm.s32 $0x1BB00;
	v8 =	vperm.xlane v8, v7  }
0x369: {  	[hbm4b:s10+s3] =	stream.indirect_vreg.scatter [tilespmem:s6], [sflag:$0x6], $0x80, v9, vm0, $0xb8;
	[tilespmem:$0x1F300] =	vst v63  }
0x36a: {  	s7 =	simm.s32 $0x1C300;
	v8 =	vadd.s32 v6, v8  }
0x36b: {  	[hbm4b:s11+s3] =	stream.indirect_vreg.scatter [tilespmem:s7], [sflag:$0x6], $0x80, v9, vm0, $0xb8;
	[tilespmem:$0x1F300] =	vst v63  }
0x36c: {  	s8 =	simm.s32 $0x1CB00  }
0x36d: {  	[hbm4b:s12+s3] =	stream.indirect_vreg.scatter [tilespmem:s8], [sflag:$0x6], $0x80, v9, vm0, $0xb8;
	[tilespmem:$0x1F300] =	vst v63  }
0x36e: {  	s13 =	simm.s32 $0x1D300  }
0x36f: {  	[hbm4b:s1+s3] =	stream.indirect_vreg.scatter [tilespmem:s13], [sflag:$0x6], $0x80, v8, vm0, $0xb8;
	[tilespmem:$0x1F300] =	vst v63  }
0x370: {  	s14 =	simm.s32 $0x1DB00  }
0x371: {  	[hbm4b:s10+s3] =	stream.indirect_vreg.scatter [tilespmem:s14], [sflag:$0x6], $0x80, v8, vm0, $0xb8;
	[tilespmem:$0x1F300] =	vst v63  }
0x372: {  	s17 =	simm.s32 $0x1E300  }
0x373: {  	[hbm4b:s11+s3] =	stream.indirect_vreg.scatter [tilespmem:s17], [sflag:$0x6], $0x80, v8, vm0, $0xb8;
	[tilespmem:$0x1F300] =	vst v63  }
0x374: {  	s19 =	simm.s32 $0x1EB00  }
0x375: {  	[hbm4b:s12+s3] =	stream.indirect_vreg.scatter [tilespmem:s19], [sflag:$0x6], $0x80, v8, vm0, $0xb8;
	[tilespmem:$0x1F300] =	vst v63  }
0x376: {  	_ =	swait.ge [sflag:s15], $0x8000  }
0x377: {  	s30 =	rddreg [dreg:$0xf]  }
0x378: {  	s2 =	rddreg [dreg:$0xd];
	s0 =	sadd.s32 $0x1, s30  }
0x379: {  	p1 =	sne.s32 s0, s2  }
.Ltmp64:
0x37a: {  	_ = 	snop;
	(pc) =	sbr.rel @p1 .LBB2_1-.Ltmp64, $4  }
.Ltmp65:
0x37b: {  	_ = 	snop;
	(pc) =	sbr.rel @!p1 .LBB2_114-.Ltmp65, $4  }
0x37c: {  	s17 =	rddreg [dreg:$0xc]  }
0x37d: {  	s7 =	simm.s32 $0xF300;
	[sflag:s15] =	ssyncset.done $0x0;
	s6 =	rddreg [dreg:$0xe]  }
0x37e: {  	s8 =	simm.s32 $0x17300;
	[sflag:s15] =	ssyncadd.s32 $0xFFFF8000;
	s15 =	rddreg [dreg:$0x7]  }
0x37f: {  	_ = 	snop  }
.LBB2_11:
.Ltmp66:
0x380: {  	_ = 	snop;
	(pc) =	sbr.rel .LBB2_20-.Ltmp66, $2  }
0x381: {  	_ =	sdelay $0x2  }
0x382: {  	s30 =	simm.s32 $0x0;
	s7 =	simm.s32 $0x0;
	p4 =	por $0x0, $0x0;
	v8 =	vmov v10  }
.LBB2_21:
.Ltmp67:
0x383: {  	(pc) =	sbr.rel .LBB2_27-.Ltmp67, $2  }
0x384: {  	_ =	sdelay $0x2  }
0x385: {  	s7 =	simm.s32 $0xC200;
	s4 =	simm.s32 $0xB000;
	p2 =	por $0x0, $0x0  }
.LBB2_28:
.Ltmp68:
0x386: {  	(pc) =	sbr.rel .LBB2_31-.Ltmp68, $2  }
0x387: {  	_ =	sdelay $0x2  }
0x388: {  	_ = 	snop  }
.LBB2_38:
.Ltmp69:
0x389: {  	_ = 	snop;
	(pc) =	sbr.rel .LBB2_47-.Ltmp69, $2  }
0x38a: {  	_ =	sdelay $0x2  }
0x38b: {  	s30 =	simm.s32 $0x0;
	s14 =	simm.s32 $0x0;
	p4 =	por $0x0, $0x0;
	v8 =	vmov v10  }
.LBB2_48:
.Ltmp70:
0x38c: {  	(pc) =	sbr.rel .LBB2_54-.Ltmp70, $2  }
0x38d: {  	_ =	sdelay $0x2  }
0x38e: {  	s7 =	simm.s32 $0xC200;
	s4 =	simm.s32 $0xB000;
	p2 =	por $0x0, $0x0  }
.LBB2_55:
.Ltmp71:
0x38f: {  	(pc) =	sbr.rel .LBB2_58-.Ltmp71, $2  }
0x390: {  	_ =	sdelay $0x2  }
0x391: {  	_ = 	snop  }
.LBB2_65:
.Ltmp72:
0x392: {  	_ = 	snop;
	(pc) =	sbr.rel .LBB2_74-.Ltmp72, $2  }
0x393: {  	_ =	sdelay $0x2  }
0x394: {  	s30 =	simm.s32 $0x0;
	s14 =	simm.s32 $0x0;
	p4 =	por $0x0, $0x0;
	v8 =	vmov v10  }
.LBB2_75:
.Ltmp73:
0x395: {  	(pc) =	sbr.rel .LBB2_81-.Ltmp73, $2  }
0x396: {  	_ =	sdelay $0x2  }
0x397: {  	s7 =	simm.s32 $0xC200;
	s4 =	simm.s32 $0xB000;
	p2 =	por $0x0, $0x0  }
.LBB2_82:
.Ltmp74:
0x398: {  	(pc) =	sbr.rel .LBB2_85-.Ltmp74, $2  }
0x399: {  	_ =	sdelay $0x2  }
0x39a: {  	_ = 	snop  }
.LBB2_92:
.Ltmp75:
0x39b: {  	_ = 	snop;
	(pc) =	sbr.rel .LBB2_101-.Ltmp75, $2  }
0x39c: {  	_ =	sdelay $0x2  }
0x39d: {  	s30 =	simm.s32 $0x0;
	s14 =	simm.s32 $0x0;
	p4 =	por $0x0, $0x0;
	v8 =	vmov v10  }
.LBB2_102:
.Ltmp76:
0x39e: {  	(pc) =	sbr.rel .LBB2_108-.Ltmp76, $3  }
0x39f: {  	_ =	sdelay $0x1  }
0x3a0: {  	s7 =	simm.s32 $0xC200  }
0x3a1: {  	s4 =	simm.s32 $0xB000;
	p2 =	por $0x0, $0x0;
	s29 =	simm.s32 $0xFB00  }
.LBB2_13:
.Ltmp77:
0x3a2: {  	(pc) =	sbr.rel .LBB2_20-.Ltmp77, $2  }
0x3a3: {  	_ =	sdelay $0x2  }
0x3a4: {  	v8 =	vmov v9;
	v9 =	vmov v10;
	s30 =	simm.s32 $0x0;
	s29 =	simm.s32 $0x0;
	p4 =	por $0x0, $0x0  }
.LBB2_23:
.Ltmp78:
0x3a5: {  	(pc) =	sbr.rel .LBB2_27-.Ltmp78, $2  }
0x3a6: {  	_ =	sdelay $0x2  }
0x3a7: {  	s7 =	simm.s32 $0xC200;
	s4 =	simm.s32 $0xB000  }
.LBB2_40:
.Ltmp79:
0x3a8: {  	(pc) =	sbr.rel .LBB2_47-.Ltmp79, $2  }
0x3a9: {  	_ =	sdelay $0x2  }
0x3aa: {  	v8 =	vmov v9;
	v9 =	vmov v10;
	s30 =	simm.s32 $0x0;
	s29 =	simm.s32 $0x0;
	p4 =	por $0x0, $0x0  }
.LBB2_50:
.Ltmp80:
0x3ab: {  	(pc) =	sbr.rel .LBB2_54-.Ltmp80, $2  }
0x3ac: {  	_ =	sdelay $0x2  }
0x3ad: {  	s7 =	simm.s32 $0xC200;
	s4 =	simm.s32 $0xB000  }
.LBB2_67:
.Ltmp81:
0x3ae: {  	(pc) =	sbr.rel .LBB2_74-.Ltmp81, $2  }
0x3af: {  	_ =	sdelay $0x2  }
0x3b0: {  	v8 =	vmov v9;
	v9 =	vmov v10;
	s30 =	simm.s32 $0x0;
	s29 =	simm.s32 $0x0;
	p4 =	por $0x0, $0x0  }
.LBB2_77:
.Ltmp82:
0x3b1: {  	(pc) =	sbr.rel .LBB2_81-.Ltmp82, $2  }
0x3b2: {  	_ =	sdelay $0x2  }
0x3b3: {  	s7 =	simm.s32 $0xC200;
	s4 =	simm.s32 $0xB000  }
.LBB2_94:
.Ltmp83:
0x3b4: {  	(pc) =	sbr.rel .LBB2_101-.Ltmp83, $2  }
0x3b5: {  	_ =	sdelay $0x2  }
0x3b6: {  	v8 =	vmov v9;
	v9 =	vmov v10;
	s30 =	simm.s32 $0x0;
	s29 =	simm.s32 $0x0;
	p4 =	por $0x0, $0x0  }
.LBB2_104:
.Ltmp84:
0x3b7: {  	(pc) =	sbr.rel .LBB2_108-.Ltmp84, $2  }
0x3b8: {  	_ =	sdelay $0x2  }
0x3b9: {  	s7 =	simm.s32 $0xC200;
	s4 =	simm.s32 $0xB000  }
.LBB2_15:
.Ltmp85:
0x3ba: {  	(pc) =	sbr.rel .LBB2_20-.Ltmp85, $3  }
0x3bb: {  	_ =	sdelay $0x1  }
0x3bc: {  	s30 =	simm.s32 $0x0;
	s4 =	simm.s32 $0x0  }
0x3bd: {  	v8 =	vmov v16;
	v15 =	vmov v10;
	v12 =	vmov v11;
	s29 =	simm.s32 $0x10;
	s7 =	simm.s32 $0x20;
	p4 =	por $0x0, $0x0  }
.LBB2_25:
.Ltmp86:
0x3be: {  	(pc) =	sbr.rel .LBB2_27-.Ltmp86, $2  }
0x3bf: {  	_ =	sdelay $0x2  }
0x3c0: {  	s7 =	simm.s32 $0xC200  }
.LBB2_42:
.Ltmp87:
0x3c1: {  	(pc) =	sbr.rel .LBB2_47-.Ltmp87, $3  }
0x3c2: {  	_ =	sdelay $0x1  }
0x3c3: {  	s30 =	simm.s32 $0x0;
	s7 =	simm.s32 $0x0  }
0x3c4: {  	v8 =	vmov v16;
	v15 =	vmov v10;
	v12 =	vmov v11;
	s29 =	simm.s32 $0x10;
	s14 =	simm.s32 $0x20;
	p4 =	por $0x0, $0x0  }
.LBB2_52:
.Ltmp88:
0x3c5: {  	(pc) =	sbr.rel .LBB2_54-.Ltmp88, $2  }
0x3c6: {  	_ =	sdelay $0x2  }
0x3c7: {  	s7 =	simm.s32 $0xC200  }
.LBB2_69:
.Ltmp89:
0x3c8: {  	(pc) =	sbr.rel .LBB2_74-.Ltmp89, $3  }
0x3c9: {  	_ =	sdelay $0x1  }
0x3ca: {  	s30 =	simm.s32 $0x0;
	s7 =	simm.s32 $0x0  }
0x3cb: {  	v8 =	vmov v16;
	v15 =	vmov v10;
	v12 =	vmov v11;
	s29 =	simm.s32 $0x10;
	s14 =	simm.s32 $0x20;
	p4 =	por $0x0, $0x0  }
.LBB2_79:
.Ltmp90:
0x3cc: {  	(pc) =	sbr.rel .LBB2_81-.Ltmp90, $2  }
0x3cd: {  	_ =	sdelay $0x2  }
0x3ce: {  	s7 =	simm.s32 $0xC200  }
.LBB2_96:
.Ltmp91:
0x3cf: {  	(pc) =	sbr.rel .LBB2_101-.Ltmp91, $3  }
0x3d0: {  	_ =	sdelay $0x1  }
0x3d1: {  	s30 =	simm.s32 $0x0;
	s7 =	simm.s32 $0x0  }
0x3d2: {  	v8 =	vmov v16;
	v15 =	vmov v10;
	v12 =	vmov v11;
	s29 =	simm.s32 $0x10;
	s14 =	simm.s32 $0x20;
	p4 =	por $0x0, $0x0  }
.LBB2_106:
.Ltmp92:
0x3d3: {  	(pc) =	sbr.rel .LBB2_108-.Ltmp92, $2  }
0x3d4: {  	_ =	sdelay $0x2  }
0x3d5: {  	s7 =	simm.s32 $0xC200  }
.LBB2_17:
.Ltmp93:
0x3d6: {  	(pc) =	sbr.rel .LBB2_20-.Ltmp93, $3  }
0x3d7: {  	_ =	sdelay $0x1  }
0x3d8: {  	s30 =	simm.s32 $0x0  }
0x3d9: {  	v15 =	vmovc v9;
	v13 =	vmov v10;
	v9 =	vmov v16;
	v14 =	vmov v11;
	s2 =	simm.s32 $0x0;
	s4 =	simm.s32 $0x10;
	s7 =	simm.s32 $0x30  }
.LBB2_44:
.Ltmp94:
0x3da: {  	(pc) =	sbr.rel .LBB2_47-.Ltmp94, $3  }
0x3db: {  	_ =	sdelay $0x1  }
0x3dc: {  	s30 =	simm.s32 $0x0  }
0x3dd: {  	v15 =	vmovc v9;
	v13 =	vmov v10;
	v9 =	vmov v16;
	v14 =	vmov v11;
	s2 =	simm.s32 $0x0;
	s7 =	simm.s32 $0x10;
	s14 =	simm.s32 $0x30  }
.LBB2_71:
.Ltmp95:
0x3de: {  	(pc) =	sbr.rel .LBB2_74-.Ltmp95, $3  }
0x3df: {  	_ =	sdelay $0x1  }
0x3e0: {  	s30 =	simm.s32 $0x0  }
0x3e1: {  	v15 =	vmovc v9;
	v13 =	vmov v10;
	v9 =	vmov v16;
	v14 =	vmov v11;
	s2 =	simm.s32 $0x0;
	s7 =	simm.s32 $0x10;
	s14 =	simm.s32 $0x30  }
.LBB2_98:
.Ltmp96:
0x3e2: {  	(pc) =	sbr.rel .LBB2_101-.Ltmp96, $3  }
0x3e3: {  	_ =	sdelay $0x1  }
0x3e4: {  	s30 =	simm.s32 $0x0  }
0x3e5: {  	v15 =	vmovc v9;
	v13 =	vmov v10;
	v9 =	vmov v16;
	v14 =	vmov v11;
	s2 =	simm.s32 $0x0;
	s7 =	simm.s32 $0x10;
	s14 =	simm.s32 $0x30  }
.LBB2_114:
0x3e6: {  	_ =	sfence.sel $0x180000  }
0x3e7: {  	[bflag:$0x0] =	sbarrier.arrive $0xFFFF  }
0x3e8: {  	_ =	strace $0x90000047  }
0x3e9: {  	s0 =	stileid.u32;
	[bflag:$0x2] =	sbarrier.arrive $0xFFFF  }
0x3ea: {  	p0 =	sne.s32 s0, $0x0;
	s0 =	rddreg [dreg:$0x4]  }
0x3eb: {  	s0 =	sadd.s32 @!p0 $0x100000, s0  }
0x3ec: {  	[sflag:s0] =	ssyncadd.tile.s32 @!p0 $0x1;
	_ =	shalt  }
.Lfunc_end2:
_tile_overlayer_lowered:
.L_overlay_start_2:
0x3ed: {  	(tag) =	ssettag $0x2  }
0x3ee: {  	s0 =	rddreg [dreg:$0x0];
	s2 =	stileid.u32  }
0x3ef: {  	s1 =	rddreg [dreg:$0x1];
	p0 =	sne.s32 s2, $0x0  }
0x3f0: {  	s3 =	rddreg [dreg:$0x2];
	[bflag:$0x3] =	sbarrier.arrive $0xFFFF;
	s2 =	simm.s32 @!p0 $0x1C07  }
0x3f1: {  	[timem:s3], [sflag:s2] =	dma.local @!p0 [hbm:s0], s1  }
0x3f2: {  	s0 =	simm.s32 @!p0 $0x7  }
0x3f3: {  	_ =	swait.ge @!p0 [sflag:s0], s1  }
0x3f4: {  	s1 =	ssub.s32 @!p0 $0x0, s1;
	[sflag:s0] =	ssyncset.done @!p0 $0x0  }
0x3f5: {  	[sflag:s0] =	ssyncadd.s32 @!p0 s1  }
0x3f6: {  	[bflag:$0x3] =	sbarrier.arrive $0xFFFF  }
0x3f7: {  	_ =	shalt  }

</sc_bundles>
